<compile_context>
chip_gen: v7x
topology: tpu7x:2x2x1
jax: 0.10.2.dev20260603
libtpu: 0.0.44.dev20260713+nightly
codegen_flags: <defaults>
</compile_context>

<pallas_src>
import functools

import jax
import jax.numpy as jnp
from jax import lax
from jax.experimental import pallas as pl
from jax.experimental.pallas import tpu as pltpu
from jax.experimental.pallas import tpu_sc as plsc

NUM_TASKS = 100000
NUM_DBS = 1000
TASK_DIM = 64
DB_DIM = 32
BATCH = 16384

_INFO = plsc.get_sparse_core_info()
NC = _INFO.num_cores
NS = _INFO.num_subcores
NW = NC * NS
QTR = BATCH // 4
LANES = 16
UNROLL = 8


def _sc_gather_t(task_id, db_id, task_t, db_t):
    mesh = plsc.VectorSubcoreMesh(core_axis_name="c", subcore_axis_name="s")

    @functools.partial(
        pl.kernel,
        mesh=mesh,
        out_type=(
            jax.ShapeDtypeStruct((TASK_DIM, BATCH), jnp.float32),
            jax.ShapeDtypeStruct((DB_DIM, BATCH), jnp.float32),
        ),
        scratch_types=[
            pltpu.VMEM((NUM_TASKS,), jnp.float32),
            pltpu.VMEM((NUM_DBS,), jnp.float32),
            pltpu.VMEM((BATCH,), jnp.int32),
            pltpu.VMEM((QTR,), jnp.float32),
            pltpu.VMEM((QTR,), jnp.float32),
            pltpu.SemaphoreType.DMA,
            pltpu.SemaphoreType.DMA,
            pltpu.SemaphoreType.DMA,
            pltpu.SemaphoreType.DMA,
            pltpu.SemaphoreType.DMA,
        ],
        compiler_params=pltpu.CompilerParams(
            needs_layout_passes=False,
            disable_bounds_checks=True,
            disable_semaphore_checks=True,
        ),
    )
    def k(task_id_hbm, db_id_hbm, task_t_hbm, db_t_hbm,
          out_task_hbm, out_db_hbm,
          row_v, dbrow_v, idx_v, out0_v, out1_v,
          srow, sidx, sdb, sout0, sout1):
        wid = lax.axis_index("s") * NC + lax.axis_index("c")
        outs = (out0_v, out1_v)
        souts = (sout0, sout1)
        pending = [None, None]

        def gather_quarter(buf, h, ob):
            out_v = outs[ob]

            @plsc.parallel_loop(0, QTR // LANES, unroll=UNROLL)
            def body(q):
                iv = idx_v[pl.ds(h * QTR + q * LANES, LANES)]
                out_v[pl.ds(q * LANES, LANES)] = plsc.load_gather(buf, [iv])

        def lookup_dim(buf, out_hbm, d):
            for h in range(4):
                ob = h & 1
                if pending[ob] is not None:
                    pending[ob].wait()
                gather_quarter(buf, h, ob)
                pending[ob] = pltpu.async_copy(
                    outs[ob], out_hbm.at[d, pl.ds(h * QTR, QTR)], souts[ob])

        c_row = pltpu.async_copy(task_t_hbm.at[wid], row_v, srow)
        c_dbrow = pltpu.async_copy(db_t_hbm.at[wid], dbrow_v, sdb)
        c_idx = pltpu.async_copy(db_id_hbm, idx_v, sidx)
        c_dbrow.wait()
        c_idx.wait()
        lookup_dim(dbrow_v, out_db_hbm, wid)

        c_idx = pltpu.async_copy(task_id_hbm, idx_v, sidx)
        c_idx.wait()
        c_row.wait()
        lookup_dim(row_v, out_task_hbm, wid)

        c_row = pltpu.async_copy(task_t_hbm.at[wid + NW], row_v, srow)
        c_row.wait()
        lookup_dim(row_v, out_task_hbm, wid + NW)

        for ob in range(2):
            if pending[ob] is not None:
                pending[ob].wait()

    return k(task_id, db_id, task_t, db_t)


def kernel(task_id, db_id, task_table, db_table):
    out_t_task, out_t_db = _sc_gather_t(
        task_id.astype(jnp.int32), db_id.astype(jnp.int32),
        task_table.T, db_table.T)
    return (out_t_task.T, out_t_db.T)

# --- scband reference (transcript-rebuilt; emitter-appended) ---
"""Pipeline reference for scband-shared-embeddings-26749056320353 (READ-ONLY COPY).

The authoritative reference and input builder live on the scoring server;
editing this copy changes nothing except your own understanding.
"""

import jax, jax.numpy as jnp
import numpy as np

NUM_TASKS = 100000
NUM_DBS = 1000
TASK_DIM = 64
DB_DIM = 32
BATCH = 16384


def setup_inputs(seed: int = 0) -> dict:
    key = jax.random.key(seed)
    k1, k2, k3, k4 = jax.random.split(key, 4)
    task_id = jax.random.randint(k1, (BATCH,), 0, NUM_TASKS, dtype=jnp.int64 if jax.config.jax_enable_x64 else jnp.int32)
    db_id = jax.random.randint(k2, (BATCH,), 0, NUM_DBS, dtype=jnp.int64 if jax.config.jax_enable_x64 else jnp.int32)
    # nn.Embedding default init: N(0, 1)
    task_table = jax.random.normal(k3, (NUM_TASKS, TASK_DIM), dtype=jnp.float32)
    db_table = jax.random.normal(k4, (max(NUM_DBS, 1), DB_DIM), dtype=jnp.float32)
    return {"task_id": task_id, "db_id": db_id, "task_table": task_table, "db_table": db_table}


def reference(task_id, db_id, task_table, db_table):
    # SharedEmbeddings.embed_task: task_embedding(task_id)
    task_emb = jnp.take(task_table, task_id, axis=0)
    # SharedEmbeddings.embed_database: db_embedding(db_id)
    db_emb = jnp.take(db_table, db_id, axis=0)
    return (task_emb, db_emb)

if __name__ == "__main__":
    import jax
    _d = setup_inputs()
    print(jax.jit(kernel)(*tuple(_d.values())))

</pallas_src>

<mosaic_0001>
#map = affine_map<(d0, d1) -> (0)>
#map1 = affine_map<(d0, d1) -> (0, 0)>
module attributes {stable_mosaic.version = 14 : i64} {
  func.func @k(%arg0: i32, %arg1: i32, %arg2: memref<16384xi32, #tpu.memory_space<hbm>>, %arg3: memref<16384xi32, #tpu.memory_space<hbm>>, %arg4: memref<64x100000xf32, #tpu.memory_space<hbm>>, %arg5: memref<32x1000xf32, #tpu.memory_space<hbm>>, %arg6: memref<64x16384xf32, #tpu.memory_space<hbm>>, %arg7: memref<32x16384xf32, #tpu.memory_space<hbm>>, %arg8: memref<100000xf32, #tpu.memory_space<vmem>>, %arg9: memref<1000xf32, #tpu.memory_space<vmem>>, %arg10: memref<16384xi32, #tpu.memory_space<vmem>>, %arg11: memref<4096xf32, #tpu.memory_space<vmem>>, %arg12: memref<4096xf32, #tpu.memory_space<vmem>>, %arg13: memref<!tpu.dma_semaphore, #tpu.memory_space<semaphore_mem>>, %arg14: memref<!tpu.dma_semaphore, #tpu.memory_space<semaphore_mem>>, %arg15: memref<!tpu.dma_semaphore, #tpu.memory_space<semaphore_mem>>, %arg16: memref<!tpu.dma_semaphore, #tpu.memory_space<semaphore_mem>>, %arg17: memref<!tpu.dma_semaphore, #tpu.memory_space<semaphore_mem>>) attributes {dimension_semantics = [#tpu.dimension_semantics<core_parallel>, #tpu.dimension_semantics<subcore_parallel>], iteration_bounds = array<i64: 2, 16>, scalar_prefetch = 0 : i64, scratch_operands = 10 : i64, tpu.core_type = #tpu.core_type<sc_vector_subcore>, window_params = [{transform_indices = #map}, {transform_indices = #map}, {transform_indices = #map1}, {transform_indices = #map1}, {transform_indices = #map1}, {transform_indices = #map1}]} {
    %mul3A = arith.constant 2 : i32
    %mul3A_0 = arith.muli %arg1, %mul3A : i32
    %add3A = arith.addi %mul3A_0, %arg0 : i32
    %dma_start3A = arith.constant 0 : i32
    %dma_start3A_1 = tpu.memref_slice %arg4[%add3A, %dma_start3A] : memref<64x100000xf32, #tpu.memory_space<hbm>> -> memref<1x100000xf32, #tpu.memory_space<hbm>>
    %dma_start3A_2 = tpu.memref_squeeze %dma_start3A_1 : memref<1x100000xf32, #tpu.memory_space<hbm>> -> memref<100000xf32, #tpu.memory_space<hbm>>
    %dma_start3A_3 = arith.constant 0 : i32
    %dma_start3A_4 = tpu.memref_slice %arg4[%add3A, %dma_start3A_3] : memref<64x100000xf32, #tpu.memory_space<hbm>> -> memref<1x100000xf32, #tpu.memory_space<hbm>>
    %dma_start3A_5 = tpu.memref_squeeze %dma_start3A_4 : memref<1x100000xf32, #tpu.memory_space<hbm>> -> memref<100000xf32, #tpu.memory_space<hbm>>
    tpu.enqueue_dma source(%dma_start3A_5 : memref<100000xf32, #tpu.memory_space<hbm>>) target(%arg8 : memref<100000xf32, #tpu.memory_space<vmem>>) target_semaphore(%arg13 : memref<!tpu.dma_semaphore, #tpu.memory_space<semaphore_mem>>)
    %dma_start3A_6 = arith.constant 0 : i32
    %dma_start3A_7 = tpu.memref_slice %arg5[%add3A, %dma_start3A_6] : memref<32x1000xf32, #tpu.memory_space<hbm>> -> memref<1x1000xf32, #tpu.memory_space<hbm>>
    %dma_start3A_8 = tpu.memref_squeeze %dma_start3A_7 : memref<1x1000xf32, #tpu.memory_space<hbm>> -> memref<1000xf32, #tpu.memory_space<hbm>>
    %dma_start3A_9 = arith.constant 0 : i32
    %dma_start3A_10 = tpu.memref_slice %arg5[%add3A, %dma_start3A_9] : memref<32x1000xf32, #tpu.memory_space<hbm>> -> memref<1x1000xf32, #tpu.memory_space<hbm>>
    %dma_start3A_11 = tpu.memref_squeeze %dma_start3A_10 : memref<1x1000xf32, #tpu.memory_space<hbm>> -> memref<1000xf32, #tpu.memory_space<hbm>>
    tpu.enqueue_dma source(%dma_start3A_11 : memref<1000xf32, #tpu.memory_space<hbm>>) target(%arg9 : memref<1000xf32, #tpu.memory_space<vmem>>) target_semaphore(%arg15 : memref<!tpu.dma_semaphore, #tpu.memory_space<semaphore_mem>>)
    tpu.enqueue_dma source(%arg3 : memref<16384xi32, #tpu.memory_space<hbm>>) target(%arg10 : memref<16384xi32, #tpu.memory_space<vmem>>) target_semaphore(%arg14 : memref<!tpu.dma_semaphore, #tpu.memory_space<semaphore_mem>>)
    %dma_wait3A = arith.constant 0 : i32
    %dma_wait3A_12 = tpu.memref_slice %arg5[%add3A, %dma_wait3A] : memref<32x1000xf32, #tpu.memory_space<hbm>> -> memref<1x1000xf32, #tpu.memory_space<hbm>>
    %dma_wait3A_13 = tpu.memref_squeeze %dma_wait3A_12 : memref<1x1000xf32, #tpu.memory_space<hbm>> -> memref<1000xf32, #tpu.memory_space<hbm>>
    %dma_wait3A_14 = arith.constant 0 : i32
    %dma_wait3A_15 = tpu.memref_slice %arg5[%add3A, %dma_wait3A_14] : memref<32x1000xf32, #tpu.memory_space<hbm>> -> memref<1x1000xf32, #tpu.memory_space<hbm>>
    %dma_wait3A_16 = tpu.memref_squeeze %dma_wait3A_15 : memref<1x1000xf32, #tpu.memory_space<hbm>> -> memref<1000xf32, #tpu.memory_space<hbm>>
    tpu.wait_dma2 semaphore(%arg15 : memref<!tpu.dma_semaphore, #tpu.memory_space<semaphore_mem>>) src(%dma_wait3A_16 : memref<1000xf32, #tpu.memory_space<hbm>>) dst(%arg9 : memref<1000xf32, #tpu.memory_space<vmem>>)
    tpu.wait_dma2 semaphore(%arg14 : memref<!tpu.dma_semaphore, #tpu.memory_space<semaphore_mem>>) src(%arg3 : memref<16384xi32, #tpu.memory_space<hbm>>) dst(%arg10 : memref<16384xi32, #tpu.memory_space<vmem>>)
    %parallel_loop3A = arith.constant 0 : i32
    %parallel_loop3A_17 = arith.constant 256 : i32
    %parallel_loop3A_18 = arith.constant 1 : i32
    scf.for %parallel_loop3A_218 = %parallel_loop3A to %parallel_loop3A_17 step %parallel_loop3A_18  : i32 {
      %parallel_loop3A_219 = arith.constant 16 : i32
      %parallel_loop3A_220 = arith.muli %parallel_loop3A_218, %parallel_loop3A_219 : i32
      %parallel_loop3A_221 = arith.constant 0 : i32
      %parallel_loop3A_222 = arith.addi %parallel_loop3A_221, %parallel_loop3A_220 : i32
      %parallel_loop3A_223 = arith.index_cast %parallel_loop3A_222 : i32 to index
      %parallel_loop3A_224 = tpu.vector_load %arg10[%parallel_loop3A_223] {strides = array<i32>} : memref<16384xi32, #tpu.memory_space<vmem>>, vector<16xi32>,
      %parallel_loop3A_225 = tpu.vector_load_idx %arg9[%parallel_loop3A_224] : memref<1000xf32, #tpu.memory_space<vmem>>[vector<16xi32>], vector<16xf32>,
      %parallel_loop3A_226 = arith.constant 16 : i32
      %parallel_loop3A_227 = arith.muli %parallel_loop3A_218, %parallel_loop3A_226 : i32
      %parallel_loop3A_228 = arith.index_cast %parallel_loop3A_227 : i32 to index
      %parallel_loop3A_229 = tpu.vector_load %arg11[%parallel_loop3A_228] {strides = array<i32>} : memref<4096xf32, #tpu.memory_space<vmem>>, vector<16xf32>,
      tpu.vector_store %arg11[%parallel_loop3A_228], %parallel_loop3A_225 {strides = array<i32>} : memref<4096xf32, #tpu.memory_space<vmem>>, vector<16xf32>,
    } {sc.loop_unroll_factor = 8 : i64, sc.parallel_access}
    %dma_start3A_19 = arith.constant 0 : i32
    %dma_start3A_20 = tpu.memref_slice %arg7[%add3A, %dma_start3A_19] : memref<32x16384xf32, #tpu.memory_space<hbm>> -> memref<1x4096xf32, #tpu.memory_space<hbm>>
    %dma_start3A_21 = tpu.memref_squeeze %dma_start3A_20 : memref<1x4096xf32, #tpu.memory_space<hbm>> -> memref<4096xf32, #tpu.memory_space<hbm>>
    %dma_start3A_22 = arith.constant 0 : i32
    %dma_start3A_23 = tpu.memref_slice %arg7[%add3A, %dma_start3A_22] : memref<32x16384xf32, #tpu.memory_space<hbm>> -> memref<1x4096xf32, #tpu.memory_space<hbm>>
    %dma_start3A_24 = tpu.memref_squeeze %dma_start3A_23 : memref<1x4096xf32, #tpu.memory_space<hbm>> -> memref<4096xf32, #tpu.memory_space<hbm>>
    tpu.enqueue_dma source(%arg11 : memref<4096xf32, #tpu.memory_space<vmem>>) target(%dma_start3A_24 : memref<4096xf32, #tpu.memory_space<hbm>>) target_semaphore(%arg16 : memref<!tpu.dma_semaphore, #tpu.memory_space<semaphore_mem>>)
    %parallel_loop3A_25 = arith.constant 0 : i32
    %parallel_loop3A_26 = arith.constant 256 : i32
    %parallel_loop3A_27 = arith.constant 1 : i32
    scf.for %parallel_loop3A_218 = %parallel_loop3A_25 to %parallel_loop3A_26 step %parallel_loop3A_27  : i32 {
      %parallel_loop3A_219 = arith.constant 16 : i32
      %parallel_loop3A_220 = arith.muli %parallel_loop3A_218, %parallel_loop3A_219 : i32
      %parallel_loop3A_221 = arith.constant 4096 : i32
      %parallel_loop3A_222 = arith.addi %parallel_loop3A_221, %parallel_loop3A_220 : i32
      %parallel_loop3A_223 = arith.index_cast %parallel_loop3A_222 : i32 to index
      %parallel_loop3A_224 = tpu.vector_load %arg10[%parallel_loop3A_223] {strides = array<i32>} : memref<16384xi32, #tpu.memory_space<vmem>>, vector<16xi32>,
      %parallel_loop3A_225 = tpu.vector_load_idx %arg9[%parallel_loop3A_224] : memref<1000xf32, #tpu.memory_space<vmem>>[vector<16xi32>], vector<16xf32>,
      %parallel_loop3A_226 = arith.constant 16 : i32
      %parallel_loop3A_227 = arith.muli %parallel_loop3A_218, %parallel_loop3A_226 : i32
      %parallel_loop3A_228 = arith.index_cast %parallel_loop3A_227 : i32 to index
      %parallel_loop3A_229 = tpu.vector_load %arg12[%parallel_loop3A_228] {strides = array<i32>} : memref<4096xf32, #tpu.memory_space<vmem>>, vector<16xf32>,
      tpu.vector_store %arg12[%parallel_loop3A_228], %parallel_loop3A_225 {strides = array<i32>} : memref<4096xf32, #tpu.memory_space<vmem>>, vector<16xf32>,
    } {sc.loop_unroll_factor = 8 : i64, sc.parallel_access}
    %dma_start3A_28 = arith.constant 4096 : i32
    %dma_start3A_29 = tpu.memref_slice %arg7[%add3A, %dma_start3A_28] : memref<32x16384xf32, #tpu.memory_space<hbm>> -> memref<1x4096xf32, #tpu.memory_space<hbm>>
    %dma_start3A_30 = tpu.memref_squeeze %dma_start3A_29 : memref<1x4096xf32, #tpu.memory_space<hbm>> -> memref<4096xf32, #tpu.memory_space<hbm>>
    %dma_start3A_31 = arith.constant 4096 : i32
    %dma_start3A_32 = tpu.memref_slice %arg7[%add3A, %dma_start3A_31] : memref<32x16384xf32, #tpu.memory_space<hbm>> -> memref<1x4096xf32, #tpu.memory_space<hbm>>
    %dma_start3A_33 = tpu.memref_squeeze %dma_start3A_32 : memref<1x4096xf32, #tpu.memory_space<hbm>> -> memref<4096xf32, #tpu.memory_space<hbm>>
    tpu.enqueue_dma source(%arg12 : memref<4096xf32, #tpu.memory_space<vmem>>) target(%dma_start3A_33 : memref<4096xf32, #tpu.memory_space<hbm>>) target_semaphore(%arg17 : memref<!tpu.dma_semaphore, #tpu.memory_space<semaphore_mem>>)
    %dma_wait3A_34 = arith.constant 0 : i32
    %dma_wait3A_35 = tpu.memref_slice %arg7[%add3A, %dma_wait3A_34] : memref<32x16384xf32, #tpu.memory_space<hbm>> -> memref<1x4096xf32, #tpu.memory_space<hbm>>
    %dma_wait3A_36 = tpu.memref_squeeze %dma_wait3A_35 : memref<1x4096xf32, #tpu.memory_space<hbm>> -> memref<4096xf32, #tpu.memory_space<hbm>>
    %dma_wait3A_37 = arith.constant 0 : i32
    %dma_wait3A_38 = tpu.memref_slice %arg7[%add3A, %dma_wait3A_37] : memref<32x16384xf32, #tpu.memory_space<hbm>> -> memref<1x4096xf32, #tpu.memory_space<hbm>>
    %dma_wait3A_39 = tpu.memref_squeeze %dma_wait3A_38 : memref<1x4096xf32, #tpu.memory_space<hbm>> -> memref<4096xf32, #tpu.memory_space<hbm>>
    tpu.wait_dma2 semaphore(%arg16 : memref<!tpu.dma_semaphore, #tpu.memory_space<semaphore_mem>>) src(%arg11 : memref<4096xf32, #tpu.memory_space<vmem>>) dst(%dma_wait3A_39 : memref<4096xf32, #tpu.memory_space<hbm>>)
    %parallel_loop3A_40 = arith.constant 0 : i32
    %parallel_loop3A_41 = arith.constant 256 : i32
    %parallel_loop3A_42 = arith.constant 1 : i32
    scf.for %parallel_loop3A_218 = %parallel_loop3A_40 to %parallel_loop3A_41 step %parallel_loop3A_42  : i32 {
      %parallel_loop3A_219 = arith.constant 16 : i32
      %parallel_loop3A_220 = arith.muli %parallel_loop3A_218, %parallel_loop3A_219 : i32
      %parallel_loop3A_221 = arith.constant 8192 : i32
      %parallel_loop3A_222 = arith.addi %parallel_loop3A_221, %parallel_loop3A_220 : i32
      %parallel_loop3A_223 = arith.index_cast %parallel_loop3A_222 : i32 to index
      %parallel_loop3A_224 = tpu.vector_load %arg10[%parallel_loop3A_223] {strides = array<i32>} : memref<16384xi32, #tpu.memory_space<vmem>>, vector<16xi32>,
      %parallel_loop3A_225 = tpu.vector_load_idx %arg9[%parallel_loop3A_224] : memref<1000xf32, #tpu.memory_space<vmem>>[vector<16xi32>], vector<16xf32>,
      %parallel_loop3A_226 = arith.constant 16 : i32
      %parallel_loop3A_227 = arith.muli %parallel_loop3A_218, %parallel_loop3A_226 : i32
      %parallel_loop3A_228 = arith.index_cast %parallel_loop3A_227 : i32 to index
      %parallel_loop3A_229 = tpu.vector_load %arg11[%parallel_loop3A_228] {strides = array<i32>} : memref<4096xf32, #tpu.memory_space<vmem>>, vector<16xf32>,
      tpu.vector_store %arg11[%parallel_loop3A_228], %parallel_loop3A_225 {strides = array<i32>} : memref<4096xf32, #tpu.memory_space<vmem>>, vector<16xf32>,
    } {sc.loop_unroll_factor = 8 : i64, sc.parallel_access}
    %dma_start3A_43 = arith.constant 8192 : i32
    %dma_start3A_44 = tpu.memref_slice %arg7[%add3A, %dma_start3A_43] : memref<32x16384xf32, #tpu.memory_space<hbm>> -> memref<1x4096xf32, #tpu.memory_space<hbm>>
    %dma_start3A_45 = tpu.memref_squeeze %dma_start3A_44 : memref<1x4096xf32, #tpu.memory_space<hbm>> -> memref<4096xf32, #tpu.memory_space<hbm>>
    %dma_start3A_46 = arith.constant 8192 : i32
    %dma_start3A_47 = tpu.memref_slice %arg7[%add3A, %dma_start3A_46] : memref<32x16384xf32, #tpu.memory_space<hbm>> -> memref<1x4096xf32, #tpu.memory_space<hbm>>
    %dma_start3A_48 = tpu.memref_squeeze %dma_start3A_47 : memref<1x4096xf32, #tpu.memory_space<hbm>> -> memref<4096xf32, #tpu.memory_space<hbm>>
    tpu.enqueue_dma source(%arg11 : memref<4096xf32, #tpu.memory_space<vmem>>) target(%dma_start3A_48 : memref<4096xf32, #tpu.memory_space<hbm>>) target_semaphore(%arg16 : memref<!tpu.dma_semaphore, #tpu.memory_space<semaphore_mem>>)
    %dma_wait3A_49 = arith.constant 4096 : i32
    %dma_wait3A_50 = tpu.memref_slice %arg7[%add3A, %dma_wait3A_49] : memref<32x16384xf32, #tpu.memory_space<hbm>> -> memref<1x4096xf32, #tpu.memory_space<hbm>>
    %dma_wait3A_51 = tpu.memref_squeeze %dma_wait3A_50 : memref<1x4096xf32, #tpu.memory_space<hbm>> -> memref<4096xf32, #tpu.memory_space<hbm>>
    %dma_wait3A_52 = arith.constant 4096 : i32
    %dma_wait3A_53 = tpu.memref_slice %arg7[%add3A, %dma_wait3A_52] : memref<32x16384xf32, #tpu.memory_space<hbm>> -> memref<1x4096xf32, #tpu.memory_space<hbm>>
    %dma_wait3A_54 = tpu.memref_squeeze %dma_wait3A_53 : memref<1x4096xf32, #tpu.memory_space<hbm>> -> memref<4096xf32, #tpu.memory_space<hbm>>
    tpu.wait_dma2 semaphore(%arg17 : memref<!tpu.dma_semaphore, #tpu.memory_space<semaphore_mem>>) src(%arg12 : memref<4096xf32, #tpu.memory_space<vmem>>) dst(%dma_wait3A_54 : memref<4096xf32, #tpu.memory_space<hbm>>)
    %parallel_loop3A_55 = arith.constant 0 : i32
    %parallel_loop3A_56 = arith.constant 256 : i32
    %parallel_loop3A_57 = arith.constant 1 : i32
    scf.for %parallel_loop3A_218 = %parallel_loop3A_55 to %parallel_loop3A_56 step %parallel_loop3A_57  : i32 {
      %parallel_loop3A_219 = arith.constant 16 : i32
      %parallel_loop3A_220 = arith.muli %parallel_loop3A_218, %parallel_loop3A_219 : i32
      %parallel_loop3A_221 = arith.constant 12288 : i32
      %parallel_loop3A_222 = arith.addi %parallel_loop3A_221, %parallel_loop3A_220 : i32
      %parallel_loop3A_223 = arith.index_cast %parallel_loop3A_222 : i32 to index
      %parallel_loop3A_224 = tpu.vector_load %arg10[%parallel_loop3A_223] {strides = array<i32>} : memref<16384xi32, #tpu.memory_space<vmem>>, vector<16xi32>,
      %parallel_loop3A_225 = tpu.vector_load_idx %arg9[%parallel_loop3A_224] : memref<1000xf32, #tpu.memory_space<vmem>>[vector<16xi32>], vector<16xf32>,
      %parallel_loop3A_226 = arith.constant 16 : i32
      %parallel_loop3A_227 = arith.muli %parallel_loop3A_218, %parallel_loop3A_226 : i32
      %parallel_loop3A_228 = arith.index_cast %parallel_loop3A_227 : i32 to index
      %parallel_loop3A_229 = tpu.vector_load %arg12[%parallel_loop3A_228] {strides = array<i32>} : memref<4096xf32, #tpu.memory_space<vmem>>, vector<16xf32>,
      tpu.vector_store %arg12[%parallel_loop3A_228], %parallel_loop3A_225 {strides = array<i32>} : memref<4096xf32, #tpu.memory_space<vmem>>, vector<16xf32>,
    } {sc.loop_unroll_factor = 8 : i64, sc.parallel_access}
    %dma_start3A_58 = arith.constant 12288 : i32
    %dma_start3A_59 = tpu.memref_slice %arg7[%add3A, %dma_start3A_58] : memref<32x16384xf32, #tpu.memory_space<hbm>> -> memref<1x4096xf32, #tpu.memory_space<hbm>>
    %dma_start3A_60 = tpu.memref_squeeze %dma_start3A_59 : memref<1x4096xf32, #tpu.memory_space<hbm>> -> memref<4096xf32, #tpu.memory_space<hbm>>
    %dma_start3A_61 = arith.constant 12288 : i32
    %dma_start3A_62 = tpu.memref_slice %arg7[%add3A, %dma_start3A_61] : memref<32x16384xf32, #tpu.memory_space<hbm>> -> memref<1x4096xf32, #tpu.memory_space<hbm>>
    %dma_start3A_63 = tpu.memref_squeeze %dma_start3A_62 : memref<1x4096xf32, #tpu.memory_space<hbm>> -> memref<4096xf32, #tpu.memory_space<hbm>>
    tpu.enqueue_dma source(%arg12 : memref<4096xf32, #tpu.memory_space<vmem>>) target(%dma_start3A_63 : memref<4096xf32, #tpu.memory_space<hbm>>) target_semaphore(%arg17 : memref<!tpu.dma_semaphore, #tpu.memory_space<semaphore_mem>>)
    tpu.enqueue_dma source(%arg2 : memref<16384xi32, #tpu.memory_space<hbm>>) target(%arg10 : memref<16384xi32, #tpu.memory_space<vmem>>) target_semaphore(%arg14 : memref<!tpu.dma_semaphore, #tpu.memory_space<semaphore_mem>>)
    tpu.wait_dma2 semaphore(%arg14 : memref<!tpu.dma_semaphore, #tpu.memory_space<semaphore_mem>>) src(%arg2 : memref<16384xi32, #tpu.memory_space<hbm>>) dst(%arg10 : memref<16384xi32, #tpu.memory_space<vmem>>)
    %dma_wait3A_64 = arith.constant 0 : i32
    %dma_wait3A_65 = tpu.memref_slice %arg4[%add3A, %dma_wait3A_64] : memref<64x100000xf32, #tpu.memory_space<hbm>> -> memref<1x100000xf32, #tpu.memory_space<hbm>>
    %dma_wait3A_66 = tpu.memref_squeeze %dma_wait3A_65 : memref<1x100000xf32, #tpu.memory_space<hbm>> -> memref<100000xf32, #tpu.memory_space<hbm>>
    %dma_wait3A_67 = arith.constant 0 : i32
    %dma_wait3A_68 = tpu.memref_slice %arg4[%add3A, %dma_wait3A_67] : memref<64x100000xf32, #tpu.memory_space<hbm>> -> memref<1x100000xf32, #tpu.memory_space<hbm>>
    %dma_wait3A_69 = tpu.memref_squeeze %dma_wait3A_68 : memref<1x100000xf32, #tpu.memory_space<hbm>> -> memref<100000xf32, #tpu.memory_space<hbm>>
    tpu.wait_dma2 semaphore(%arg13 : memref<!tpu.dma_semaphore, #tpu.memory_space<semaphore_mem>>) src(%dma_wait3A_69 : memref<100000xf32, #tpu.memory_space<hbm>>) dst(%arg8 : memref<100000xf32, #tpu.memory_space<vmem>>)
    %dma_wait3A_70 = arith.constant 8192 : i32
    %dma_wait3A_71 = tpu.memref_slice %arg7[%add3A, %dma_wait3A_70] : memref<32x16384xf32, #tpu.memory_space<hbm>> -> memref<1x4096xf32, #tpu.memory_space<hbm>>
    %dma_wait3A_72 = tpu.memref_squeeze %dma_wait3A_71 : memref<1x4096xf32, #tpu.memory_space<hbm>> -> memref<4096xf32, #tpu.memory_space<hbm>>
    %dma_wait3A_73 = arith.constant 8192 : i32
    %dma_wait3A_74 = tpu.memref_slice %arg7[%add3A, %dma_wait3A_73] : memref<32x16384xf32, #tpu.memory_space<hbm>> -> memref<1x4096xf32, #tpu.memory_space<hbm>>
    %dma_wait3A_75 = tpu.memref_squeeze %dma_wait3A_74 : memref<1x4096xf32, #tpu.memory_space<hbm>> -> memref<4096xf32, #tpu.memory_space<hbm>>
    tpu.wait_dma2 semaphore(%arg16 : memref<!tpu.dma_semaphore, #tpu.memory_space<semaphore_mem>>) src(%arg11 : memref<4096xf32, #tpu.memory_space<vmem>>) dst(%dma_wait3A_75 : memref<4096xf32, #tpu.memory_space<hbm>>)
    %parallel_loop3A_76 = arith.constant 0 : i32
    %parallel_loop3A_77 = arith.constant 256 : i32
    %parallel_loop3A_78 = arith.constant 1 : i32
    scf.for %parallel_loop3A_218 = %parallel_loop3A_76 to %parallel_loop3A_77 step %parallel_loop3A_78  : i32 {
      %parallel_loop3A_219 = arith.constant 16 : i32
      %parallel_loop3A_220 = arith.muli %parallel_loop3A_218, %parallel_loop3A_219 : i32
      %parallel_loop3A_221 = arith.constant 0 : i32
      %parallel_loop3A_222 = arith.addi %parallel_loop3A_221, %parallel_loop3A_220 : i32
      %parallel_loop3A_223 = arith.index_cast %parallel_loop3A_222 : i32 to index
      %parallel_loop3A_224 = tpu.vector_load %arg10[%parallel_loop3A_223] {strides = array<i32>} : memref<16384xi32, #tpu.memory_space<vmem>>, vector<16xi32>,
      %parallel_loop3A_225 = tpu.vector_load_idx %arg8[%parallel_loop3A_224] : memref<100000xf32, #tpu.memory_space<vmem>>[vector<16xi32>], vector<16xf32>,
      %parallel_loop3A_226 = arith.constant 16 : i32
      %parallel_loop3A_227 = arith.muli %parallel_loop3A_218, %parallel_loop3A_226 : i32
      %parallel_loop3A_228 = arith.index_cast %parallel_loop3A_227 : i32 to index
      %parallel_loop3A_229 = tpu.vector_load %arg11[%parallel_loop3A_228] {strides = array<i32>} : memref<4096xf32, #tpu.memory_space<vmem>>, vector<16xf32>,
      tpu.vector_store %arg11[%parallel_loop3A_228], %parallel_loop3A_225 {strides = array<i32>} : memref<4096xf32, #tpu.memory_space<vmem>>, vector<16xf32>,
    } {sc.loop_unroll_factor = 8 : i64, sc.parallel_access}
    %dma_start3A_79 = arith.constant 0 : i32
    %dma_start3A_80 = tpu.memref_slice %arg6[%add3A, %dma_start3A_79] : memref<64x16384xf32, #tpu.memory_space<hbm>> -> memref<1x4096xf32, #tpu.memory_space<hbm>>
    %dma_start3A_81 = tpu.memref_squeeze %dma_start3A_80 : memref<1x4096xf32, #tpu.memory_space<hbm>> -> memref<4096xf32, #tpu.memory_space<hbm>>
    %dma_start3A_82 = arith.constant 0 : i32
    %dma_start3A_83 = tpu.memref_slice %arg6[%add3A, %dma_start3A_82] : memref<64x16384xf32, #tpu.memory_space<hbm>> -> memref<1x4096xf32, #tpu.memory_space<hbm>>
    %dma_start3A_84 = tpu.memref_squeeze %dma_start3A_83 : memref<1x4096xf32, #tpu.memory_space<hbm>> -> memref<4096xf32, #tpu.memory_space<hbm>>
    tpu.enqueue_dma source(%arg11 : memref<4096xf32, #tpu.memory_space<vmem>>) target(%dma_start3A_84 : memref<4096xf32, #tpu.memory_space<hbm>>) target_semaphore(%arg16 : memref<!tpu.dma_semaphore, #tpu.memory_space<semaphore_mem>>)
    %dma_wait3A_85 = arith.constant 12288 : i32
    %dma_wait3A_86 = tpu.memref_slice %arg7[%add3A, %dma_wait3A_85] : memref<32x16384xf32, #tpu.memory_space<hbm>> -> memref<1x4096xf32, #tpu.memory_space<hbm>>
    %dma_wait3A_87 = tpu.memref_squeeze %dma_wait3A_86 : memref<1x4096xf32, #tpu.memory_space<hbm>> -> memref<4096xf32, #tpu.memory_space<hbm>>
    %dma_wait3A_88 = arith.constant 12288 : i32
    %dma_wait3A_89 = tpu.memref_slice %arg7[%add3A, %dma_wait3A_88] : memref<32x16384xf32, #tpu.memory_space<hbm>> -> memref<1x4096xf32, #tpu.memory_space<hbm>>
    %dma_wait3A_90 = tpu.memref_squeeze %dma_wait3A_89 : memref<1x4096xf32, #tpu.memory_space<hbm>> -> memref<4096xf32, #tpu.memory_space<hbm>>
    tpu.wait_dma2 semaphore(%arg17 : memref<!tpu.dma_semaphore, #tpu.memory_space<semaphore_mem>>) src(%arg12 : memref<4096xf32, #tpu.memory_space<vmem>>) dst(%dma_wait3A_90 : memref<4096xf32, #tpu.memory_space<hbm>>)
    %parallel_loop3A_91 = arith.constant 0 : i32
    %parallel_loop3A_92 = arith.constant 256 : i32
    %parallel_loop3A_93 = arith.constant 1 : i32
    scf.for %parallel_loop3A_218 = %parallel_loop3A_91 to %parallel_loop3A_92 step %parallel_loop3A_93  : i32 {
      %parallel_loop3A_219 = arith.constant 16 : i32
      %parallel_loop3A_220 = arith.muli %parallel_loop3A_218, %parallel_loop3A_219 : i32
      %parallel_loop3A_221 = arith.constant 4096 : i32
      %parallel_loop3A_222 = arith.addi %parallel_loop3A_221, %parallel_loop3A_220 : i32
      %parallel_loop3A_223 = arith.index_cast %parallel_loop3A_222 : i32 to index
      %parallel_loop3A_224 = tpu.vector_load %arg10[%parallel_loop3A_223] {strides = array<i32>} : memref<16384xi32, #tpu.memory_space<vmem>>, vector<16xi32>,
      %parallel_loop3A_225 = tpu.vector_load_idx %arg8[%parallel_loop3A_224] : memref<100000xf32, #tpu.memory_space<vmem>>[vector<16xi32>], vector<16xf32>,
      %parallel_loop3A_226 = arith.constant 16 : i32
      %parallel_loop3A_227 = arith.muli %parallel_loop3A_218, %parallel_loop3A_226 : i32
      %parallel_loop3A_228 = arith.index_cast %parallel_loop3A_227 : i32 to index
      %parallel_loop3A_229 = tpu.vector_load %arg12[%parallel_loop3A_228] {strides = array<i32>} : memref<4096xf32, #tpu.memory_space<vmem>>, vector<16xf32>,
      tpu.vector_store %arg12[%parallel_loop3A_228], %parallel_loop3A_225 {strides = array<i32>} : memref<4096xf32, #tpu.memory_space<vmem>>, vector<16xf32>,
    } {sc.loop_unroll_factor = 8 : i64, sc.parallel_access}
    %dma_start3A_94 = arith.constant 4096 : i32
    %dma_start3A_95 = tpu.memref_slice %arg6[%add3A, %dma_start3A_94] : memref<64x16384xf32, #tpu.memory_space<hbm>> -> memref<1x4096xf32, #tpu.memory_space<hbm>>
    %dma_start3A_96 = tpu.memref_squeeze %dma_start3A_95 : memref<1x4096xf32, #tpu.memory_space<hbm>> -> memref<4096xf32, #tpu.memory_space<hbm>>
    %dma_start3A_97 = arith.constant 4096 : i32
    %dma_start3A_98 = tpu.memref_slice %arg6[%add3A, %dma_start3A_97] : memref<64x16384xf32, #tpu.memory_space<hbm>> -> memref<1x4096xf32, #tpu.memory_space<hbm>>
    %dma_start3A_99 = tpu.memref_squeeze %dma_start3A_98 : memref<1x4096xf32, #tpu.memory_space<hbm>> -> memref<4096xf32, #tpu.memory_space<hbm>>
    tpu.enqueue_dma source(%arg12 : memref<4096xf32, #tpu.memory_space<vmem>>) target(%dma_start3A_99 : memref<4096xf32, #tpu.memory_space<hbm>>) target_semaphore(%arg17 : memref<!tpu.dma_semaphore, #tpu.memory_space<semaphore_mem>>)
    %dma_wait3A_100 = arith.constant 0 : i32
    %dma_wait3A_101 = tpu.memref_slice %arg6[%add3A, %dma_wait3A_100] : memref<64x16384xf32, #tpu.memory_space<hbm>> -> memref<1x4096xf32, #tpu.memory_space<hbm>>
    %dma_wait3A_102 = tpu.memref_squeeze %dma_wait3A_101 : memref<1x4096xf32, #tpu.memory_space<hbm>> -> memref<4096xf32, #tpu.memory_space<hbm>>
    %dma_wait3A_103 = arith.constant 0 : i32
    %dma_wait3A_104 = tpu.memref_slice %arg6[%add3A, %dma_wait3A_103] : memref<64x16384xf32, #tpu.memory_space<hbm>> -> memref<1x4096xf32, #tpu.memory_space<hbm>>
    %dma_wait3A_105 = tpu.memref_squeeze %dma_wait3A_104 : memref<1x4096xf32, #tpu.memory_space<hbm>> -> memref<4096xf32, #tpu.memory_space<hbm>>
    tpu.wait_dma2 semaphore(%arg16 : memref<!tpu.dma_semaphore, #tpu.memory_space<semaphore_mem>>) src(%arg11 : memref<4096xf32, #tpu.memory_space<vmem>>) dst(%dma_wait3A_105 : memref<4096xf32, #tpu.memory_space<hbm>>)
    %parallel_loop3A_106 = arith.constant 0 : i32
    %parallel_loop3A_107 = arith.constant 256 : i32
    %parallel_loop3A_108 = arith.constant 1 : i32
    scf.for %parallel_loop3A_218 = %parallel_loop3A_106 to %parallel_loop3A_107 step %parallel_loop3A_108  : i32 {
      %parallel_loop3A_219 = arith.constant 16 : i32
      %parallel_loop3A_220 = arith.muli %parallel_loop3A_218, %parallel_loop3A_219 : i32
      %parallel_loop3A_221 = arith.constant 8192 : i32
      %parallel_loop3A_222 = arith.addi %parallel_loop3A_221, %parallel_loop3A_220 : i32
      %parallel_loop3A_223 = arith.index_cast %parallel_loop3A_222 : i32 to index
      %parallel_loop3A_224 = tpu.vector_load %arg10[%parallel_loop3A_223] {strides = array<i32>} : memref<16384xi32, #tpu.memory_space<vmem>>, vector<16xi32>,
      %parallel_loop3A_225 = tpu.vector_load_idx %arg8[%parallel_loop3A_224] : memref<100000xf32, #tpu.memory_space<vmem>>[vector<16xi32>], vector<16xf32>,
      %parallel_loop3A_226 = arith.constant 16 : i32
      %parallel_loop3A_227 = arith.muli %parallel_loop3A_218, %parallel_loop3A_226 : i32
      %parallel_loop3A_228 = arith.index_cast %parallel_loop3A_227 : i32 to index
      %parallel_loop3A_229 = tpu.vector_load %arg11[%parallel_loop3A_228] {strides = array<i32>} : memref<4096xf32, #tpu.memory_space<vmem>>, vector<16xf32>,
      tpu.vector_store %arg11[%parallel_loop3A_228], %parallel_loop3A_225 {strides = array<i32>} : memref<4096xf32, #tpu.memory_space<vmem>>, vector<16xf32>,
    } {sc.loop_unroll_factor = 8 : i64, sc.parallel_access}
    %dma_start3A_109 = arith.constant 8192 : i32
    %dma_start3A_110 = tpu.memref_slice %arg6[%add3A, %dma_start3A_109] : memref<64x16384xf32, #tpu.memory_space<hbm>> -> memref<1x4096xf32, #tpu.memory_space<hbm>>
    %dma_start3A_111 = tpu.memref_squeeze %dma_start3A_110 : memref<1x4096xf32, #tpu.memory_space<hbm>> -> memref<4096xf32, #tpu.memory_space<hbm>>
    %dma_start3A_112 = arith.constant 8192 : i32
    %dma_start3A_113 = tpu.memref_slice %arg6[%add3A, %dma_start3A_112] : memref<64x16384xf32, #tpu.memory_space<hbm>> -> memref<1x4096xf32, #tpu.memory_space<hbm>>
    %dma_start3A_114 = tpu.memref_squeeze %dma_start3A_113 : memref<1x4096xf32, #tpu.memory_space<hbm>> -> memref<4096xf32, #tpu.memory_space<hbm>>
    tpu.enqueue_dma source(%arg11 : memref<4096xf32, #tpu.memory_space<vmem>>) target(%dma_start3A_114 : memref<4096xf32, #tpu.memory_space<hbm>>) target_semaphore(%arg16 : memref<!tpu.dma_semaphore, #tpu.memory_space<semaphore_mem>>)
    %dma_wait3A_115 = arith.constant 4096 : i32
    %dma_wait3A_116 = tpu.memref_slice %arg6[%add3A, %dma_wait3A_115] : memref<64x16384xf32, #tpu.memory_space<hbm>> -> memref<1x4096xf32, #tpu.memory_space<hbm>>
    %dma_wait3A_117 = tpu.memref_squeeze %dma_wait3A_116 : memref<1x4096xf32, #tpu.memory_space<hbm>> -> memref<4096xf32, #tpu.memory_space<hbm>>
    %dma_wait3A_118 = arith.constant 4096 : i32
    %dma_wait3A_119 = tpu.memref_slice %arg6[%add3A, %dma_wait3A_118] : memref<64x16384xf32, #tpu.memory_space<hbm>> -> memref<1x4096xf32, #tpu.memory_space<hbm>>
    %dma_wait3A_120 = tpu.memref_squeeze %dma_wait3A_119 : memref<1x4096xf32, #tpu.memory_space<hbm>> -> memref<4096xf32, #tpu.memory_space<hbm>>
    tpu.wait_dma2 semaphore(%arg17 : memref<!tpu.dma_semaphore, #tpu.memory_space<semaphore_mem>>) src(%arg12 : memref<4096xf32, #tpu.memory_space<vmem>>) dst(%dma_wait3A_120 : memref<4096xf32, #tpu.memory_space<hbm>>)
    %parallel_loop3A_121 = arith.constant 0 : i32
    %parallel_loop3A_122 = arith.constant 256 : i32
    %parallel_loop3A_123 = arith.constant 1 : i32
    scf.for %parallel_loop3A_218 = %parallel_loop3A_121 to %parallel_loop3A_122 step %parallel_loop3A_123  : i32 {
      %parallel_loop3A_219 = arith.constant 16 : i32
      %parallel_loop3A_220 = arith.muli %parallel_loop3A_218, %parallel_loop3A_219 : i32
      %parallel_loop3A_221 = arith.constant 12288 : i32
      %parallel_loop3A_222 = arith.addi %parallel_loop3A_221, %parallel_loop3A_220 : i32
      %parallel_loop3A_223 = arith.index_cast %parallel_loop3A_222 : i32 to index
      %parallel_loop3A_224 = tpu.vector_load %arg10[%parallel_loop3A_223] {strides = array<i32>} : memref<16384xi32, #tpu.memory_space<vmem>>, vector<16xi32>,
      %parallel_loop3A_225 = tpu.vector_load_idx %arg8[%parallel_loop3A_224] : memref<100000xf32, #tpu.memory_space<vmem>>[vector<16xi32>], vector<16xf32>,
      %parallel_loop3A_226 = arith.constant 16 : i32
      %parallel_loop3A_227 = arith.muli %parallel_loop3A_218, %parallel_loop3A_226 : i32
      %parallel_loop3A_228 = arith.index_cast %parallel_loop3A_227 : i32 to index
      %parallel_loop3A_229 = tpu.vector_load %arg12[%parallel_loop3A_228] {strides = array<i32>} : memref<4096xf32, #tpu.memory_space<vmem>>, vector<16xf32>,
      tpu.vector_store %arg12[%parallel_loop3A_228], %parallel_loop3A_225 {strides = array<i32>} : memref<4096xf32, #tpu.memory_space<vmem>>, vector<16xf32>,
    } {sc.loop_unroll_factor = 8 : i64, sc.parallel_access}
    %dma_start3A_124 = arith.constant 12288 : i32
    %dma_start3A_125 = tpu.memref_slice %arg6[%add3A, %dma_start3A_124] : memref<64x16384xf32, #tpu.memory_space<hbm>> -> memref<1x4096xf32, #tpu.memory_space<hbm>>
    %dma_start3A_126 = tpu.memref_squeeze %dma_start3A_125 : memref<1x4096xf32, #tpu.memory_space<hbm>> -> memref<4096xf32, #tpu.memory_space<hbm>>
    %dma_start3A_127 = arith.constant 12288 : i32
    %dma_start3A_128 = tpu.memref_slice %arg6[%add3A, %dma_start3A_127] : memref<64x16384xf32, #tpu.memory_space<hbm>> -> memref<1x4096xf32, #tpu.memory_space<hbm>>
    %dma_start3A_129 = tpu.memref_squeeze %dma_start3A_128 : memref<1x4096xf32, #tpu.memory_space<hbm>> -> memref<4096xf32, #tpu.memory_space<hbm>>
    tpu.enqueue_dma source(%arg12 : memref<4096xf32, #tpu.memory_space<vmem>>) target(%dma_start3A_129 : memref<4096xf32, #tpu.memory_space<hbm>>) target_semaphore(%arg17 : memref<!tpu.dma_semaphore, #tpu.memory_space<semaphore_mem>>)
    %add3A_130 = arith.constant 32 : i32
    %add3A_131 = arith.addi %add3A, %add3A_130 : i32
    %dma_start3A_132 = arith.constant 0 : i32
    %dma_start3A_133 = tpu.memref_slice %arg4[%add3A_131, %dma_start3A_132] : memref<64x100000xf32, #tpu.memory_space<hbm>> -> memref<1x100000xf32, #tpu.memory_space<hbm>>
    %dma_start3A_134 = tpu.memref_squeeze %dma_start3A_133 : memref<1x100000xf32, #tpu.memory_space<hbm>> -> memref<100000xf32, #tpu.memory_space<hbm>>
    %dma_start3A_135 = arith.constant 0 : i32
    %dma_start3A_136 = tpu.memref_slice %arg4[%add3A_131, %dma_start3A_135] : memref<64x100000xf32, #tpu.memory_space<hbm>> -> memref<1x100000xf32, #tpu.memory_space<hbm>>
    %dma_start3A_137 = tpu.memref_squeeze %dma_start3A_136 : memref<1x100000xf32, #tpu.memory_space<hbm>> -> memref<100000xf32, #tpu.memory_space<hbm>>
    tpu.enqueue_dma source(%dma_start3A_137 : memref<100000xf32, #tpu.memory_space<hbm>>) target(%arg8 : memref<100000xf32, #tpu.memory_space<vmem>>) target_semaphore(%arg13 : memref<!tpu.dma_semaphore, #tpu.memory_space<semaphore_mem>>)
    %dma_wait3A_138 = arith.constant 0 : i32
    %dma_wait3A_139 = tpu.memref_slice %arg4[%add3A_131, %dma_wait3A_138] : memref<64x100000xf32, #tpu.memory_space<hbm>> -> memref<1x100000xf32, #tpu.memory_space<hbm>>
    %dma_wait3A_140 = tpu.memref_squeeze %dma_wait3A_139 : memref<1x100000xf32, #tpu.memory_space<hbm>> -> memref<100000xf32, #tpu.memory_space<hbm>>
    %dma_wait3A_141 = arith.constant 0 : i32
    %dma_wait3A_142 = tpu.memref_slice %arg4[%add3A_131, %dma_wait3A_141] : memref<64x100000xf32, #tpu.memory_space<hbm>> -> memref<1x100000xf32, #tpu.memory_space<hbm>>
    %dma_wait3A_143 = tpu.memref_squeeze %dma_wait3A_142 : memref<1x100000xf32, #tpu.memory_space<hbm>> -> memref<100000xf32, #tpu.memory_space<hbm>>
    tpu.wait_dma2 semaphore(%arg13 : memref<!tpu.dma_semaphore, #tpu.memory_space<semaphore_mem>>) src(%dma_wait3A_143 : memref<100000xf32, #tpu.memory_space<hbm>>) dst(%arg8 : memref<100000xf32, #tpu.memory_space<vmem>>)
    %add3A_144 = arith.constant 32 : i32
    %add3A_145 = arith.addi %add3A, %add3A_144 : i32
    %dma_wait3A_146 = arith.constant 8192 : i32
    %dma_wait3A_147 = tpu.memref_slice %arg6[%add3A, %dma_wait3A_146] : memref<64x16384xf32, #tpu.memory_space<hbm>> -> memref<1x4096xf32, #tpu.memory_space<hbm>>
    %dma_wait3A_148 = tpu.memref_squeeze %dma_wait3A_147 : memref<1x4096xf32, #tpu.memory_space<hbm>> -> memref<4096xf32, #tpu.memory_space<hbm>>
    %dma_wait3A_149 = arith.constant 8192 : i32
    %dma_wait3A_150 = tpu.memref_slice %arg6[%add3A, %dma_wait3A_149] : memref<64x16384xf32, #tpu.memory_space<hbm>> -> memref<1x4096xf32, #tpu.memory_space<hbm>>
    %dma_wait3A_151 = tpu.memref_squeeze %dma_wait3A_150 : memref<1x4096xf32, #tpu.memory_space<hbm>> -> memref<4096xf32, #tpu.memory_space<hbm>>
    tpu.wait_dma2 semaphore(%arg16 : memref<!tpu.dma_semaphore, #tpu.memory_space<semaphore_mem>>) src(%arg11 : memref<4096xf32, #tpu.memory_space<vmem>>) dst(%dma_wait3A_151 : memref<4096xf32, #tpu.memory_space<hbm>>)
    %parallel_loop3A_152 = arith.constant 0 : i32
    %parallel_loop3A_153 = arith.constant 256 : i32
    %parallel_loop3A_154 = arith.constant 1 : i32
    scf.for %parallel_loop3A_218 = %parallel_loop3A_152 to %parallel_loop3A_153 step %parallel_loop3A_154  : i32 {
      %parallel_loop3A_219 = arith.constant 16 : i32
      %parallel_loop3A_220 = arith.muli %parallel_loop3A_218, %parallel_loop3A_219 : i32
      %parallel_loop3A_221 = arith.constant 0 : i32
      %parallel_loop3A_222 = arith.addi %parallel_loop3A_221, %parallel_loop3A_220 : i32
      %parallel_loop3A_223 = arith.index_cast %parallel_loop3A_222 : i32 to index
      %parallel_loop3A_224 = tpu.vector_load %arg10[%parallel_loop3A_223] {strides = array<i32>} : memref<16384xi32, #tpu.memory_space<vmem>>, vector<16xi32>,
      %parallel_loop3A_225 = tpu.vector_load_idx %arg8[%parallel_loop3A_224] : memref<100000xf32, #tpu.memory_space<vmem>>[vector<16xi32>], vector<16xf32>,
      %parallel_loop3A_226 = arith.constant 16 : i32
      %parallel_loop3A_227 = arith.muli %parallel_loop3A_218, %parallel_loop3A_226 : i32
      %parallel_loop3A_228 = arith.index_cast %parallel_loop3A_227 : i32 to index
      %parallel_loop3A_229 = tpu.vector_load %arg11[%parallel_loop3A_228] {strides = array<i32>} : memref<4096xf32, #tpu.memory_space<vmem>>, vector<16xf32>,
      tpu.vector_store %arg11[%parallel_loop3A_228], %parallel_loop3A_225 {strides = array<i32>} : memref<4096xf32, #tpu.memory_space<vmem>>, vector<16xf32>,
    } {sc.loop_unroll_factor = 8 : i64, sc.parallel_access}
    %dma_start3A_155 = arith.constant 0 : i32
    %dma_start3A_156 = tpu.memref_slice %arg6[%add3A_145, %dma_start3A_155] : memref<64x16384xf32, #tpu.memory_space<hbm>> -> memref<1x4096xf32, #tpu.memory_space<hbm>>
    %dma_start3A_157 = tpu.memref_squeeze %dma_start3A_156 : memref<1x4096xf32, #tpu.memory_space<hbm>> -> memref<4096xf32, #tpu.memory_space<hbm>>
    %dma_start3A_158 = arith.constant 0 : i32
    %dma_start3A_159 = tpu.memref_slice %arg6[%add3A_145, %dma_start3A_158] : memref<64x16384xf32, #tpu.memory_space<hbm>> -> memref<1x4096xf32, #tpu.memory_space<hbm>>
    %dma_start3A_160 = tpu.memref_squeeze %dma_start3A_159 : memref<1x4096xf32, #tpu.memory_space<hbm>> -> memref<4096xf32, #tpu.memory_space<hbm>>
    tpu.enqueue_dma source(%arg11 : memref<4096xf32, #tpu.memory_space<vmem>>) target(%dma_start3A_160 : memref<4096xf32, #tpu.memory_space<hbm>>) target_semaphore(%arg16 : memref<!tpu.dma_semaphore, #tpu.memory_space<semaphore_mem>>)
    %dma_wait3A_161 = arith.constant 12288 : i32
    %dma_wait3A_162 = tpu.memref_slice %arg6[%add3A, %dma_wait3A_161] : memref<64x16384xf32, #tpu.memory_space<hbm>> -> memref<1x4096xf32, #tpu.memory_space<hbm>>
    %dma_wait3A_163 = tpu.memref_squeeze %dma_wait3A_162 : memref<1x4096xf32, #tpu.memory_space<hbm>> -> memref<4096xf32, #tpu.memory_space<hbm>>
    %dma_wait3A_164 = arith.constant 12288 : i32
    %dma_wait3A_165 = tpu.memref_slice %arg6[%add3A, %dma_wait3A_164] : memref<64x16384xf32, #tpu.memory_space<hbm>> -> memref<1x4096xf32, #tpu.memory_space<hbm>>
    %dma_wait3A_166 = tpu.memref_squeeze %dma_wait3A_165 : memref<1x4096xf32, #tpu.memory_space<hbm>> -> memref<4096xf32, #tpu.memory_space<hbm>>
    tpu.wait_dma2 semaphore(%arg17 : memref<!tpu.dma_semaphore, #tpu.memory_space<semaphore_mem>>) src(%arg12 : memref<4096xf32, #tpu.memory_space<vmem>>) dst(%dma_wait3A_166 : memref<4096xf32, #tpu.memory_space<hbm>>)
    %parallel_loop3A_167 = arith.constant 0 : i32
    %parallel_loop3A_168 = arith.constant 256 : i32
    %parallel_loop3A_169 = arith.constant 1 : i32
    scf.for %parallel_loop3A_218 = %parallel_loop3A_167 to %parallel_loop3A_168 step %parallel_loop3A_169  : i32 {
      %parallel_loop3A_219 = arith.constant 16 : i32
      %parallel_loop3A_220 = arith.muli %parallel_loop3A_218, %parallel_loop3A_219 : i32
      %parallel_loop3A_221 = arith.constant 4096 : i32
      %parallel_loop3A_222 = arith.addi %parallel_loop3A_221, %parallel_loop3A_220 : i32
      %parallel_loop3A_223 = arith.index_cast %parallel_loop3A_222 : i32 to index
      %parallel_loop3A_224 = tpu.vector_load %arg10[%parallel_loop3A_223] {strides = array<i32>} : memref<16384xi32, #tpu.memory_space<vmem>>, vector<16xi32>,
      %parallel_loop3A_225 = tpu.vector_load_idx %arg8[%parallel_loop3A_224] : memref<100000xf32, #tpu.memory_space<vmem>>[vector<16xi32>], vector<16xf32>,
      %parallel_loop3A_226 = arith.constant 16 : i32
      %parallel_loop3A_227 = arith.muli %parallel_loop3A_218, %parallel_loop3A_226 : i32
      %parallel_loop3A_228 = arith.index_cast %parallel_loop3A_227 : i32 to index
      %parallel_loop3A_229 = tpu.vector_load %arg12[%parallel_loop3A_228] {strides = array<i32>} : memref<4096xf32, #tpu.memory_space<vmem>>, vector<16xf32>,
      tpu.vector_store %arg12[%parallel_loop3A_228], %parallel_loop3A_225 {strides = array<i32>} : memref<4096xf32, #tpu.memory_space<vmem>>, vector<16xf32>,
    } {sc.loop_unroll_factor = 8 : i64, sc.parallel_access}
    %dma_start3A_170 = arith.constant 4096 : i32
    %dma_start3A_171 = tpu.memref_slice %arg6[%add3A_145, %dma_start3A_170] : memref<64x16384xf32, #tpu.memory_space<hbm>> -> memref<1x4096xf32, #tpu.memory_space<hbm>>
    %dma_start3A_172 = tpu.memref_squeeze %dma_start3A_171 : memref<1x4096xf32, #tpu.memory_space<hbm>> -> memref<4096xf32, #tpu.memory_space<hbm>>
    %dma_start3A_173 = arith.constant 4096 : i32
    %dma_start3A_174 = tpu.memref_slice %arg6[%add3A_145, %dma_start3A_173] : memref<64x16384xf32, #tpu.memory_space<hbm>> -> memref<1x4096xf32, #tpu.memory_space<hbm>>
    %dma_start3A_175 = tpu.memref_squeeze %dma_start3A_174 : memref<1x4096xf32, #tpu.memory_space<hbm>> -> memref<4096xf32, #tpu.memory_space<hbm>>
    tpu.enqueue_dma source(%arg12 : memref<4096xf32, #tpu.memory_space<vmem>>) target(%dma_start3A_175 : memref<4096xf32, #tpu.memory_space<hbm>>) target_semaphore(%arg17 : memref<!tpu.dma_semaphore, #tpu.memory_space<semaphore_mem>>)
    %dma_wait3A_176 = arith.constant 0 : i32
    %dma_wait3A_177 = tpu.memref_slice %arg6[%add3A_145, %dma_wait3A_176] : memref<64x16384xf32, #tpu.memory_space<hbm>> -> memref<1x4096xf32, #tpu.memory_space<hbm>>
    %dma_wait3A_178 = tpu.memref_squeeze %dma_wait3A_177 : memref<1x4096xf32, #tpu.memory_space<hbm>> -> memref<4096xf32, #tpu.memory_space<hbm>>
    %dma_wait3A_179 = arith.constant 0 : i32
    %dma_wait3A_180 = tpu.memref_slice %arg6[%add3A_145, %dma_wait3A_179] : memref<64x16384xf32, #tpu.memory_space<hbm>> -> memref<1x4096xf32, #tpu.memory_space<hbm>>
    %dma_wait3A_181 = tpu.memref_squeeze %dma_wait3A_180 : memref<1x4096xf32, #tpu.memory_space<hbm>> -> memref<4096xf32, #tpu.memory_space<hbm>>
    tpu.wait_dma2 semaphore(%arg16 : memref<!tpu.dma_semaphore, #tpu.memory_space<semaphore_mem>>) src(%arg11 : memref<4096xf32, #tpu.memory_space<vmem>>) dst(%dma_wait3A_181 : memref<4096xf32, #tpu.memory_space<hbm>>)
    %parallel_loop3A_182 = arith.constant 0 : i32
    %parallel_loop3A_183 = arith.constant 256 : i32
    %parallel_loop3A_184 = arith.constant 1 : i32
    scf.for %parallel_loop3A_218 = %parallel_loop3A_182 to %parallel_loop3A_183 step %parallel_loop3A_184  : i32 {
      %parallel_loop3A_219 = arith.constant 16 : i32
      %parallel_loop3A_220 = arith.muli %parallel_loop3A_218, %parallel_loop3A_219 : i32
      %parallel_loop3A_221 = arith.constant 8192 : i32
      %parallel_loop3A_222 = arith.addi %parallel_loop3A_221, %parallel_loop3A_220 : i32
      %parallel_loop3A_223 = arith.index_cast %parallel_loop3A_222 : i32 to index
      %parallel_loop3A_224 = tpu.vector_load %arg10[%parallel_loop3A_223] {strides = array<i32>} : memref<16384xi32, #tpu.memory_space<vmem>>, vector<16xi32>,
      %parallel_loop3A_225 = tpu.vector_load_idx %arg8[%parallel_loop3A_224] : memref<100000xf32, #tpu.memory_space<vmem>>[vector<16xi32>], vector<16xf32>,
      %parallel_loop3A_226 = arith.constant 16 : i32
      %parallel_loop3A_227 = arith.muli %parallel_loop3A_218, %parallel_loop3A_226 : i32
      %parallel_loop3A_228 = arith.index_cast %parallel_loop3A_227 : i32 to index
      %parallel_loop3A_229 = tpu.vector_load %arg11[%parallel_loop3A_228] {strides = array<i32>} : memref<4096xf32, #tpu.memory_space<vmem>>, vector<16xf32>,
      tpu.vector_store %arg11[%parallel_loop3A_228], %parallel_loop3A_225 {strides = array<i32>} : memref<4096xf32, #tpu.memory_space<vmem>>, vector<16xf32>,
    } {sc.loop_unroll_factor = 8 : i64, sc.parallel_access}
    %dma_start3A_185 = arith.constant 8192 : i32
    %dma_start3A_186 = tpu.memref_slice %arg6[%add3A_145, %dma_start3A_185] : memref<64x16384xf32, #tpu.memory_space<hbm>> -> memref<1x4096xf32, #tpu.memory_space<hbm>>
    %dma_start3A_187 = tpu.memref_squeeze %dma_start3A_186 : memref<1x4096xf32, #tpu.memory_space<hbm>> -> memref<4096xf32, #tpu.memory_space<hbm>>
    %dma_start3A_188 = arith.constant 8192 : i32
    %dma_start3A_189 = tpu.memref_slice %arg6[%add3A_145, %dma_start3A_188] : memref<64x16384xf32, #tpu.memory_space<hbm>> -> memref<1x4096xf32, #tpu.memory_space<hbm>>
    %dma_start3A_190 = tpu.memref_squeeze %dma_start3A_189 : memref<1x4096xf32, #tpu.memory_space<hbm>> -> memref<4096xf32, #tpu.memory_space<hbm>>
    tpu.enqueue_dma source(%arg11 : memref<4096xf32, #tpu.memory_space<vmem>>) target(%dma_start3A_190 : memref<4096xf32, #tpu.memory_space<hbm>>) target_semaphore(%arg16 : memref<!tpu.dma_semaphore, #tpu.memory_space<semaphore_mem>>)
    %dma_wait3A_191 = arith.constant 4096 : i32
    %dma_wait3A_192 = tpu.memref_slice %arg6[%add3A_145, %dma_wait3A_191] : memref<64x16384xf32, #tpu.memory_space<hbm>> -> memref<1x4096xf32, #tpu.memory_space<hbm>>
    %dma_wait3A_193 = tpu.memref_squeeze %dma_wait3A_192 : memref<1x4096xf32, #tpu.memory_space<hbm>> -> memref<4096xf32, #tpu.memory_space<hbm>>
    %dma_wait3A_194 = arith.constant 4096 : i32
    %dma_wait3A_195 = tpu.memref_slice %arg6[%add3A_145, %dma_wait3A_194] : memref<64x16384xf32, #tpu.memory_space<hbm>> -> memref<1x4096xf32, #tpu.memory_space<hbm>>
    %dma_wait3A_196 = tpu.memref_squeeze %dma_wait3A_195 : memref<1x4096xf32, #tpu.memory_space<hbm>> -> memref<4096xf32, #tpu.memory_space<hbm>>
    tpu.wait_dma2 semaphore(%arg17 : memref<!tpu.dma_semaphore, #tpu.memory_space<semaphore_mem>>) src(%arg12 : memref<4096xf32, #tpu.memory_space<vmem>>) dst(%dma_wait3A_196 : memref<4096xf32, #tpu.memory_space<hbm>>)
    %parallel_loop3A_197 = arith.constant 0 : i32
    %parallel_loop3A_198 = arith.constant 256 : i32
    %parallel_loop3A_199 = arith.constant 1 : i32
    scf.for %parallel_loop3A_218 = %parallel_loop3A_197 to %parallel_loop3A_198 step %parallel_loop3A_199  : i32 {
      %parallel_loop3A_219 = arith.constant 16 : i32
      %parallel_loop3A_220 = arith.muli %parallel_loop3A_218, %parallel_loop3A_219 : i32
      %parallel_loop3A_221 = arith.constant 12288 : i32
      %parallel_loop3A_222 = arith.addi %parallel_loop3A_221, %parallel_loop3A_220 : i32
      %parallel_loop3A_223 = arith.index_cast %parallel_loop3A_222 : i32 to index
      %parallel_loop3A_224 = tpu.vector_load %arg10[%parallel_loop3A_223] {strides = array<i32>} : memref<16384xi32, #tpu.memory_space<vmem>>, vector<16xi32>,
      %parallel_loop3A_225 = tpu.vector_load_idx %arg8[%parallel_loop3A_224] : memref<100000xf32, #tpu.memory_space<vmem>>[vector<16xi32>], vector<16xf32>,
      %parallel_loop3A_226 = arith.constant 16 : i32
      %parallel_loop3A_227 = arith.muli %parallel_loop3A_218, %parallel_loop3A_226 : i32
      %parallel_loop3A_228 = arith.index_cast %parallel_loop3A_227 : i32 to index
      %parallel_loop3A_229 = tpu.vector_load %arg12[%parallel_loop3A_228] {strides = array<i32>} : memref<4096xf32, #tpu.memory_space<vmem>>, vector<16xf32>,
      tpu.vector_store %arg12[%parallel_loop3A_228], %parallel_loop3A_225 {strides = array<i32>} : memref<4096xf32, #tpu.memory_space<vmem>>, vector<16xf32>,
    } {sc.loop_unroll_factor = 8 : i64, sc.parallel_access}
    %dma_start3A_200 = arith.constant 12288 : i32
    %dma_start3A_201 = tpu.memref_slice %arg6[%add3A_145, %dma_start3A_200] : memref<64x16384xf32, #tpu.memory_space<hbm>> -> memref<1x4096xf32, #tpu.memory_space<hbm>>
    %dma_start3A_202 = tpu.memref_squeeze %dma_start3A_201 : memref<1x4096xf32, #tpu.memory_space<hbm>> -> memref<4096xf32, #tpu.memory_space<hbm>>
    %dma_start3A_203 = arith.constant 12288 : i32
    %dma_start3A_204 = tpu.memref_slice %arg6[%add3A_145, %dma_start3A_203] : memref<64x16384xf32, #tpu.memory_space<hbm>> -> memref<1x4096xf32, #tpu.memory_space<hbm>>
    %dma_start3A_205 = tpu.memref_squeeze %dma_start3A_204 : memref<1x4096xf32, #tpu.memory_space<hbm>> -> memref<4096xf32, #tpu.memory_space<hbm>>
    tpu.enqueue_dma source(%arg12 : memref<4096xf32, #tpu.memory_space<vmem>>) target(%dma_start3A_205 : memref<4096xf32, #tpu.memory_space<hbm>>) target_semaphore(%arg17 : memref<!tpu.dma_semaphore, #tpu.memory_space<semaphore_mem>>)
    %dma_wait3A_206 = arith.constant 8192 : i32
    %dma_wait3A_207 = tpu.memref_slice %arg6[%add3A_145, %dma_wait3A_206] : memref<64x16384xf32, #tpu.memory_space<hbm>> -> memref<1x4096xf32, #tpu.memory_space<hbm>>
    %dma_wait3A_208 = tpu.memref_squeeze %dma_wait3A_207 : memref<1x4096xf32, #tpu.memory_space<hbm>> -> memref<4096xf32, #tpu.memory_space<hbm>>
    %dma_wait3A_209 = arith.constant 8192 : i32
    %dma_wait3A_210 = tpu.memref_slice %arg6[%add3A_145, %dma_wait3A_209] : memref<64x16384xf32, #tpu.memory_space<hbm>> -> memref<1x4096xf32, #tpu.memory_space<hbm>>
    %dma_wait3A_211 = tpu.memref_squeeze %dma_wait3A_210 : memref<1x4096xf32, #tpu.memory_space<hbm>> -> memref<4096xf32, #tpu.memory_space<hbm>>
    tpu.wait_dma2 semaphore(%arg16 : memref<!tpu.dma_semaphore, #tpu.memory_space<semaphore_mem>>) src(%arg11 : memref<4096xf32, #tpu.memory_space<vmem>>) dst(%dma_wait3A_211 : memref<4096xf32, #tpu.memory_space<hbm>>)
    %dma_wait3A_212 = arith.constant 12288 : i32
    %dma_wait3A_213 = tpu.memref_slice %arg6[%add3A_145, %dma_wait3A_212] : memref<64x16384xf32, #tpu.memory_space<hbm>> -> memref<1x4096xf32, #tpu.memory_space<hbm>>
    %dma_wait3A_214 = tpu.memref_squeeze %dma_wait3A_213 : memref<1x4096xf32, #tpu.memory_space<hbm>> -> memref<4096xf32, #tpu.memory_space<hbm>>
    %dma_wait3A_215 = arith.constant 12288 : i32
    %dma_wait3A_216 = tpu.memref_slice %arg6[%add3A_145, %dma_wait3A_215] : memref<64x16384xf32, #tpu.memory_space<hbm>> -> memref<1x4096xf32, #tpu.memory_space<hbm>>
    %dma_wait3A_217 = tpu.memref_squeeze %dma_wait3A_216 : memref<1x4096xf32, #tpu.memory_space<hbm>> -> memref<4096xf32, #tpu.memory_space<hbm>>
    tpu.wait_dma2 semaphore(%arg17 : memref<!tpu.dma_semaphore, #tpu.memory_space<semaphore_mem>>) src(%arg12 : memref<4096xf32, #tpu.memory_space<vmem>>) dst(%dma_wait3A_217 : memref<4096xf32, #tpu.memory_space<hbm>>)
    return
  }
}

</mosaic_0001>

<sc_bundles>
// kernel: kernel.3.cloned.1.call-start
scs
__scs_entry_jumppad:
0x0: {  	(pc) =	sbr.rel $0x88, $3  }
0x1: {  	(tag) =	ssettag $0x0;
	lr =	simm.s32 $0x1  }
0x2: {  	[smem:$0x3F9D] =	sst lr;
	_ =	strace $0xD0000000  }
0x3: {  	_ = 	snop  }
0x4: {  	_ = 	snop  }
0x5: {  	_ = 	snop  }
0x6: {  	_ = 	snop  }
0x7: {  	_ = 	snop  }
__scs_overlays_trampoline_lowered:
0x8: {  	[smem:$0x3FAC] =	sst s0  }
0x9: {  	[smem:$0x3FAD] =	sst s1  }
0xa: {  	[smem:$0x3FAE] =	sst s2  }
0xb: {  	[smem:$0x3FAF] =	sst s3  }
0xc: {  	[smem:$0x3FB0] =	sst s4  }
0xd: {  	[smem:$0x3FB1] =	sst s5  }
0xe: {  	[smem:$0x3FB2] =	sst s6  }
0xf: {  	[smem:$0x3FB3] =	sst s7  }
0x10: {  	[smem:$0x3FB4] =	sst s8  }
0x11: {  	[smem:$0x3FB5] =	sst s9;
	s0 =	simm.s32 @!p0 $0x0  }
0x12: {  	s1 =	sld [smem:$0x3F9B];
	s0 =	simm.s32 @p0 $0x1  }
0x13: {  	[smem:$0x3FB6] =	sst s0;
	s0 =	simm.s32 @!p1 $0x0  }
0x14: {  	s2 =	sld [smem:$0x3F9A];
	s0 =	simm.s32 @p1 $0x1  }
0x15: {  	[smem:$0x3FB7] =	sst s0;
	s0 =	simm.s32 @!p2 $0x0  }
0x16: {  	s3 =	sld [smem:$0x3FDB];
	s0 =	simm.s32 @p2 $0x1  }
0x17: {  	s4 =	simm.s32 $0x1BF5;
	[smem:$0x3FB9] =	sst s0  }
0x18: {  	s0 =	sld [smem:$0x3F9C];
	_ =	swait.ge [sflag:s4], $0x0  }
0x19: {  	s7 =	sld [smem:$0x3F9D]  }
0x1a: {  	s8 =	sadd.s32 $0xFFFFE003, lr  }
0x1b: {  	s9 =	sadd.s32 $0xFFFFFEF7, lr;
	s5 =	simm.s32 $0xFFFFFFFF;
	p2 =	slt.u32 s8, $0xFFFFF086  }
0x1c: {  	p1 =	slt.u32 s9, $0xF7A;
	s5 =	simm.s32 @!p2 $0x0  }
0x1d: {  	s5 =	simm.s32 @p1 $0x1;
	p0 =	seq.s32 s7, s2  }
0x1e: {  	s7 =	smul.u32 @!p0 $0xF7A, s2;
	p2 =	seq.s32 @!p0 s5, $0x0  }
0x1f: {  	s9 =	smul.u32 $0xF7A, s1;
	s8 =	simm.s32 @!p0 $0x1BF5;
	p2 =	por !p2, p0  }
0x20: {  	[sflag:s8] =	ssyncset.s32 @!p0 $0xFFFFF086;
	s6 =	sadd.s32 @!p0 s3, s7;
	s7 =	simm.s32 @!p0 $0x108  }
0x21: {  	s3 =	sadd.s32 s3, s9;
	s6 =	sadd.s32 @!p0 $0x88, s6;
	s7 =	simm.s32 @p2 $0x1082  }
0x22: {  	[simem:s7], [sflag:s8] =	dma.local @!p0 [hbm:s6], $0xF7A  }
0x23: {  	s9 =	sor.u32 $0xD0000000, s2;
	s6 =	simm.s32 $0x108;
	_ =	swait.ge @!p0 [sflag:s8], $0x0  }
0x24: {  	s3 =	sadd.s32 $0x88, s3;
	s6 =	simm.s32 @!p1 $0x1082;
	[sflag:s4] =	ssyncset.s32 $0xFFFFF086  }
0x25: {  	[simem:s6], [sflag:s4] =	dma.local [hbm:s3], $0xF7A  }
0x26: {  	[smem:$0x3F9D] =	sst s1;
	(tag) =	ssettag s2;
	_ =	strace s9  }
0x27: {  	s1 =	sld [smem:$0x3FAD]  }
0x28: {  	s2 =	sld [smem:$0x3FAE]  }
0x29: {  	s4 =	sld [smem:$0x3FB0]  }
0x2a: {  	p0 =	seq.s32 s5, $0x0;
	s5 =	sld [smem:$0x3FB1]  }
0x2b: {  	s6 =	sld [smem:$0x3FB2]  }
0x2c: {  	s7 =	sld [smem:$0x3FB3]  }
0x2d: {  	s3 =	simm.s32 $0x108;
	s8 =	sld [smem:$0x3FB4]  }
0x2e: {  	s3 =	simm.s32 @!p0 $0x1082;
	s9 =	sld [smem:$0x3FB5]  }
0x2f: {  	lr =	sadd.s32 s0, s3;
	s0 =	sld [smem:$0x3FAC]  }
0x30: {  	s3 =	sld [smem:$0x3FAF]  }
0x31: {  	[smem:$0x3FB8] =	sst s10  }
0x32: {  	s10 =	sld [smem:$0x3FB6];
	_ =	sdelay $0x3  }
0x33: {  	p0 =	seq.s32 s10, $0x1;
	s10 =	sld [smem:$0x3FB8];
	_ =	sdelay $0x3  }
0x34: {  	[smem:$0x3FB8] =	sst s10  }
0x35: {  	s10 =	sld [smem:$0x3FB7];
	_ =	sdelay $0x3  }
0x36: {  	p1 =	seq.s32 s10, $0x1;
	s10 =	sld [smem:$0x3FB8];
	_ =	sdelay $0x3  }
0x37: {  	[smem:$0x3FB8] =	sst s10  }
0x38: {  	s10 =	sld [smem:$0x3FB9]  }
0x39: {  	_ = 	snop;
	(pc) =	sbr.ind lr, $3  }
0x3a: {  	_ = 	snop  }
0x3b: {  	_ = 	snop  }
0x3c: {  	p2 =	seq.s32 s10, $0x1;
	s10 =	sld [smem:$0x3FB8]  }
0x3d: {  	_ =	shalt  }
0x3e: {  	_ =	shalt  }
0x3f: {  	_ =	shalt  }
0x40: {  	_ =	shalt  }
0x41: {  	_ =	shalt  }
0x42: {  	_ =	shalt  }
0x43: {  	_ =	shalt  }
0x44: {  	_ =	shalt  }
0x45: {  	_ =	shalt  }
0x46: {  	_ =	shalt  }
0x47: {  	_ =	shalt  }
0x48: {  	_ =	shalt  }
0x49: {  	_ =	shalt  }
0x4a: {  	_ =	shalt  }
0x4b: {  	_ =	shalt  }
0x4c: {  	_ =	shalt  }
0x4d: {  	_ =	shalt  }
0x4e: {  	_ =	shalt  }
0x4f: {  	_ =	shalt  }
0x50: {  	_ =	shalt  }
0x51: {  	_ =	shalt  }
0x52: {  	_ =	shalt  }
0x53: {  	_ =	shalt  }
0x54: {  	_ =	shalt  }
0x55: {  	_ =	shalt  }
0x56: {  	_ =	shalt  }
0x57: {  	_ =	shalt  }
0x58: {  	_ =	shalt  }
0x59: {  	_ =	shalt  }
0x5a: {  	_ =	shalt  }
0x5b: {  	_ =	shalt  }
0x5c: {  	_ =	shalt  }
0x5d: {  	_ =	shalt  }
0x5e: {  	_ =	shalt  }
0x5f: {  	_ =	shalt  }
0x60: {  	_ =	shalt  }
0x61: {  	_ =	shalt  }
0x62: {  	_ =	shalt  }
0x63: {  	_ =	shalt  }
0x64: {  	_ =	shalt  }
0x65: {  	_ =	shalt  }
0x66: {  	_ =	shalt  }
0x67: {  	_ =	shalt  }
0x68: {  	_ =	shalt  }
0x69: {  	_ =	shalt  }
0x6a: {  	_ =	shalt  }
0x6b: {  	_ =	shalt  }
0x6c: {  	_ =	shalt  }
0x6d: {  	_ =	shalt  }
0x6e: {  	_ =	shalt  }
0x6f: {  	_ =	shalt  }
0x70: {  	_ =	shalt  }
0x71: {  	_ =	shalt  }
0x72: {  	_ =	shalt  }
0x73: {  	_ =	shalt  }
0x74: {  	_ =	shalt  }
0x75: {  	_ =	shalt  }
0x76: {  	_ =	shalt  }
0x77: {  	_ =	shalt  }
0x78: {  	_ =	shalt  }
0x79: {  	_ =	shalt  }
0x7a: {  	_ =	shalt  }
0x7b: {  	_ =	shalt  }
0x7c: {  	_ =	shalt  }
0x7d: {  	_ =	shalt  }
0x7e: {  	_ =	shalt  }
0x7f: {  	_ =	shalt  }
0x80: {  	_ =	shalt  }
0x81: {  	_ =	shalt  }
0x82: {  	_ =	shalt  }
0x83: {  	_ =	shalt  }
0x84: {  	_ =	shalt  }
0x85: {  	_ =	shalt  }
0x86: {  	_ =	shalt  }
0x87: {  	_ =	shalt  }
.Lfunc_end0:
.L_simem_size_0:
called_computation_lowered:
.L_overlay_start_0:
0x88: {  	s2 =	sld [smem:$0x3FD9]  }
0x89: {  	s3 =	sld [smem:$0x3FFE];
	_ =	sdelay $0x1  }
0x8a: {  	s1 =	srdreg.scid  }
0x8b: {  	s0 =	sand.u32 $0x1, s1  }
0x8c: {  	s15 =	sshll.u32 s0, $0xA;
	s2 =	sadd.s32 s3, s2  }
0x8d: {  	s2 =	sadd.s32 s2, s15  }
0x8e: {  	[smem:$0x3FC4] =	sst s2  }
0x8f: {  	_ = 	snop  }
0x90: {  	s2 =	sld [smem:$0x3FC9]  }
0x91: {  	s16 =	sld [smem:$0x3FD0]  }
0x92: {  	s4 =	sld [smem:$0x3FC8]  }
0x93: {  	s5 =	sld [smem:$0x3FC7]  }
0x94: {  	s7 =	simm.s32 $0xA;
	s8 =	simm.s32 $0x10;
	s6 =	sld [smem:$0x3FC6]  }
0x95: {  	[smem:s8], [sflag:s7] =	dma.local [hbm:s16], $0x1  }
0x96: {  	_ =	swait.eq [sflag:s7], $0x1  }
0x97: {  	[sflag:s7] =	ssyncset.done $0x0  }
0x98: {  	s17 =	sld [smem:$0x10];
	[sflag:s7] =	ssyncadd.s32 $0xFFFFFFFF  }
0x99: {  	s18 =	sld [smem:$0x11];
	(tm) =	ssettm $0x1  }
0x9a: {  	s19 =	sld [smem:$0x3FFB];
	_ =	sdelay $0x3  }
0x9b: {  	_ =	strace s19  }
0x9c: {  	s8 =	sld [smem:$0x3FFC];
	_ =	sdelay $0x3  }
0x9d: {  	_ =	strace s8  }
0x9e: {  	s8 =	sld [smem:$0x3FFD];
	_ =	sdelay $0x3  }
0x9f: {  	_ =	strace s8  }
0xa0: {  	_ =	strace $0x8FFFFFFF  }
0xa1: {  	s20 =	sld [smem:$0x3FDB];
	_ =	sdelay $0x1  }
0xa2: {  	s9 =	simm.s32 $_scs_section_size  }
0xa3: {  	s10 =	simm.s32 $_size__tile_overlayer_lowered;
	s11 =	simm.s32 $_tile_overlayer_lowered  }
0xa4: {  	s23 =	simm.s32 $0x1BFF;
	s22 =	sshll.u32 s11, $0x1;
	s8 =	sadd.s32 s9, s20  }
0xa5: {  	s12 =	simm.s32 $0x0;
	s21 =	sshll.u32 s10, $0x1;
	s10 =	sadd.s32 s22, s8  }
0xa6: {  	[timem:s12], [sflag:s23] =	dma.local [hbm:s10], s21  }
0xa7: {  	_ =	swait.ge [sflag:s23], s21  }
0xa8: {  	s9 =	ssub.s32 $0x0, s21;
	[sflag:s23] =	ssyncset.done $0x0  }
0xa9: {  	[sflag:s23] =	ssyncadd.s32 s9;
	_ =	sdelay $0x1  }
0xaa: {  	s24 =	simm.s32 $0x1B8B  }
0xab: {  	_ =	swait.ge [sflag:s24], $0x1  }
0xac: {  	[sflag:s24] =	ssyncset.done $0x0  }
0xad: {  	s25 =	simm.s32 $0x1B8E;
	[sflag:s24] =	ssyncadd.s32 $0xFFFFFFFF  }
0xae: {  	s26 =	simm.s32 $execute0_lowered;
	[smem:$0x3FD2] =	sst s25  }
0xaf: {  	s9 =	sshll.u32 s26, $0x1;
	_ =	strace $0x80000046;
	[dreg:$0x1] =	wrdreg $0xFFFFFFFF  }
0xb0: {  	s28 =	simm.s32 $_size_execute0_lowered;
	s8 =	sadd.s32 s8, s9;
	[dreg:$0x0] =	wrdreg $0x0  }
0xb1: {  	s9 =	sshll.u32 s28, $0x1;
	[dreg:$0x2] =	wrdreg s8  }
0xb2: {  	[dreg:$0x3] =	wrdreg s9  }
0xb3: {  	[dreg:$0x4] =	wrdreg $0xC0  }
0xb4: {  	_ =	task [dreg:s12], $0x5FFFF  }
0xb5: {  	[dreg:$0x1] =	wrdreg $0xFFFFFFFF  }
0xb6: {  	[dreg:$0x0] =	wrdreg $0x60  }
0xb7: {  	[dreg:$0x2] =	wrdreg s2  }
0xb8: {  	[dreg:$0x3] =	wrdreg s4  }
0xb9: {  	[dreg:$0x4] =	wrdreg s5  }
0xba: {  	[dreg:$0x5] =	wrdreg s6  }
0xbb: {  	[dreg:$0x6] =	wrdreg s17  }
0xbc: {  	[dreg:$0x7] =	wrdreg s18  }
0xbd: {  	[dreg:$0x8] =	wrdreg $0x9  }
0xbe: {  	_ =	task.clear_ibuf [dreg:s12], $0x9FFFF;
	_ =	strace $0x90000046  }
0xbf: {  	s29 =	simm.s32 $0x9;
	_ =	strace $0x80000048  }
0xc0: {  	_ =	swait.ge [sflag:s29], $0x1  }
0xc1: {  	[sflag:s29] =	ssyncadd.s32 $0xFFFFFFFF  }
0xc2: {  	_ =	strace $0x90000048  }
0xc3: {  	_ =	sfence  }
0xc4: {  	s30 =	sld [smem:$0x0];
	_ =	sdelay $0x2  }
0xc5: {  	s31 =	sshll.u32 s1, $0xD;
	s1 =	sshrl.u32 s1, $0x2  }
0xc6: {  	s3 =	sand.u32 $0x4000, s31;
	s1 =	sadd.s32 s1, s30  }
0xc7: {  	s0 =	sor.u32 s3, s0;
	s1 =	sshll.u32 s1, $0x11  }
0xc8: {  	s0 =	sor.u32 s1, s0  }
0xc9: {  	s0 =	sadd.s32 $0x8F2B, s0  }
0xca: {  	[sflag:s0] =	ssyncadd.remote.s32 $0x1  }
0xcb: {  	_ =	sfence.sel $0xFFFF  }
0xcc: {  	[dreg:$0x0] =	wrdreg $0xFFFFFFFF;
	(pc) =	sbr.abs _section_cstart, $3  }
0xcd: {  	[dreg:$0x1] =	wrdreg $0xFFFFFFFF  }
0xce: {  	_ =	task.clear_ibuf [dreg:s12], $0x2FFFF;
	_ =	strace $0x9FFFFFFF  }
0xcf: {  	(tm) =	ssettm $0x7FFFFFFF  }
tec
execute0_lowered:
.L_overlay_start_1:
0x0: {  	(tag) =	ssettag $0x1  }
0x1: {  	s0 =	rddreg [dreg:$0x2]  }
0x2: {  	s1 =	rddreg [dreg:$0x3]  }
0x3: {  	s2 =	rddreg [dreg:$0x4]  }
0x4: {  	s4 =	rddreg [dreg:$0x5];
	s3 =	simm.s32 $0x0;
	s5 =	srdreg.scid  }
0x5: {  	s8 =	stileid.u32;
	s28 =	simm.s32 $0x1CB00;
	s29 =	simm.s32 $0x1DB00  }
0x6: {  	s30 =	simm.s32 $0x4;
	s31 =	simm.s32 $0x5;
	[smem:$0x7FF] =	sst s3  }
0x7: {  	s5 =	sand.u32 $0x1, s5;
	s10 =	sshrl.u32 s8, $0x2;
	s8 =	sshll.u32 s8, $0x8  }
0x8: {  	_ =	strace $0x80000047;
	s6 =	ssub.s32 $0x2, s5;
	s5 =	sshll.u32 s5, $0x7  }
0x9: {  	s8 =	sand.u32 $0x300, s8;
	s9 =	smul.u32 $0xC3800, s10;
	s21 =	sshll.u32 s10, $0xD  }
0xa: {  	s23 =	sshll.u32 s10, $0x11;
	s10 =	sor.u32 $0x4, s10;
	s7 =	sshrl.u32 s6, $0x1  }
0xb: {  	s5 =	sor.u32 s5, s8;
	s14 =	smul.u32 $0xC3800, s10;
	s16 =	sshll.u32 s10, $0x11  }
0xc: {  	s20 =	ssub.s32 s6, s7;
	s22 =	sor.u32 s9, s5;
	s6 =	sor.u32 s21, s5  }
0xd: {  	s8 =	sor.u32 s23, s5;
	s25 =	sor.u32 s5, s16;
	s21 =	simm.s32 $0x80  }
0xe: {  	s23 =	simm.s32 $0x18700;
	s7 =	sshrl.u32 s22, $0x3;
	s6 =	sshrl.u32 s6, $0x3  }
0xf: {  	s24 =	sshrl.u32 s8, $0x3;
	s26 =	sor.u32 s5, s14;
	s20 =	smax.u32 s20, $0x1  }
0x10: {  	s22 =	simm.s32 $0x400;
	s7 =	sadd.s32 s0, s7;
	s6 =	sadd.s32 s1, s6  }
0x11: {  	s12 =	sor.u32 $0x1000, s24;
	s13 =	sor.u32 $0x2000, s24;
	s15 =	sor.u32 $0x3000, s24  }
0x12: {  	s11 =	sadd.s32 s2, s24;
	s1 =	sshrl.u32 s25, $0x3;
	s25 =	simm.s32 $0x3  }
0x13: {  	[dreg:$0x7] =	wrdreg s7;
	s7 =	sadd.s32 s4, s24;
	s8 =	sadd.s32 s4, s12  }
0x14: {  	s9 =	sadd.s32 s4, s13;
	s10 =	sadd.s32 s4, s15;
	s12 =	sadd.s32 s2, s12  }
0x15: {  	s13 =	sadd.s32 s2, s13;
	s4 =	sshrl.u32 s26, $0x3;
	s14 =	sadd.s32 s2, s1  }
0x16: {  	s15 =	sadd.s32 s2, s15;
	s24 =	simm.s32 $0x18B00;
	s26 =	simm.s32 $0x2  }
0x17: {  	s16 =	sadd.s32 s0, s4;
	s17 =	sadd.s32 $0x1000, s14;
	s18 =	sadd.s32 $0x2000, s14  }
0x18: {  	s19 =	sadd.s32 $0x3000, s14;
	s0 =	simm.s32 $0x1;
	s4 =	simm.s32 $0x0  }
.LBB2_1:
0x19: {  	s1 =	rddreg [dreg:$0x7]  }
0x1a: {  	[tilespmem:s3], [sflag:$0x1] =	stream.strided.gather [hbm4b:s1+s21], $0x18700, s22, s21, $0x38;
	[tilespmem:$0x1EB00] =	vst v63  }
0x1b: {  	_ = 	snop  }
0x1c: {  	[tilespmem:s23], [sflag:$0x3] =	stream.strided.gather [hbm4b:s6+s21], $0x400, s22, s21, $0x38;
	[tilespmem:$0x1EB00] =	vst v63  }
0x1d: {  	s2 =	rddreg [dreg:$0x1]  }
0x1e: {  	[tilespmem:s24], [sflag:$0x2] =	stream.linear.gather [hbm4b:s2+s3], $0x4000, $0x38;
	[tilespmem:$0x1EB00] =	vst v63  }
0x1f: {  	_ =	swait.ge [sflag:s25], $0x400  }
0x20: {  	[sflag:s25] =	ssyncset.done $0x0  }
0x21: {  	[sflag:s25] =	ssyncadd.s32 $0xFFFFFC00  }
0x22: {  	_ =	swait.ge [sflag:s26], $0x4000  }
0x23: {  	[sflag:s26] =	ssyncset.done $0x0  }
0x24: {  	s5 =	simm.s32 $0x18B40;
	[sflag:s26] =	ssyncadd.s32 $0xFFFFC000  }
0x25: {  	v0 =	vld [tilespmem:s5+$0x30]  }
0x26: {  	v1 =	vld [tilespmem:s5+$0xFFFFFFD0]  }
0x27: {  	v2 =	vld [tilespmem:s5+$0xFFFFFFE0]  }
0x28: {  	v3 =	vld [tilespmem:s5+$0xFFFFFFF0]  }
0x29: {  	v4 =	vld [tilespmem:s5+$0x0]  }
0x2a: {  	v6 =	vld [tilespmem:s5+$0x10]  }
0x2b: {  	v7 =	vld [tilespmem:s5+$0x20]  }
0x2c: {  	v8 =	vld [tilespmem:s5+$0xFFFFFFC0]  }
0x2d: {  	v9 =	vld.idx.msk [tilespmem:v0+s23+$0x0], $0xffff  }
0x2e: {  	v10 =	vld.idx.msk [tilespmem:v1+s23+$0x0], $0xffff  }
0x2f: {  	v5 =	vld.idx.msk [tilespmem:v2+s23+$0x0], $0xffff  }
0x30: {  	v3 =	vld.idx.msk [tilespmem:v3+s23+$0x0], $0xffff  }
0x31: {  	v0 =	vld.idx.msk [tilespmem:v4+s23+$0x0], $0xffff  }
0x32: {  	s1 =	simm.s32 $0x1CB40;
	v1 =	vld.idx.msk [tilespmem:v6+s23+$0x0], $0xffff  }
0x33: {  	v2 =	vld.idx.msk [tilespmem:v7+s23+$0x0], $0xffff;
	[tilespmem:s1+$0x30] =	vst v9  }
0x34: {  	s2 =	simm.s32 $0x0;
	s5 =	simm.s32 $0x18BC0;
	v4 =	vld.idx.msk [tilespmem:v8+s23+$0x0], $0xffff;
	[tilespmem:s1+$0xFFFFFFD0] =	vst v10  }
.LBB2_2:
0x35: {  	v6 =	vld [tilespmem:s5+$0x30];
	s2 =	sadd.s32 $0x8, s2;
	[tilespmem:s1+$0xFFFFFFE0] =	vst v5  }
0x36: {  	v5 =	vld [tilespmem:s5+$0xFFFFFFD0];
	p0 =	slt.u32 s2, $0xF8;
	[tilespmem:s1+$0xFFFFFFF0] =	vst v3  }
0x37: {  	v3 =	vld [tilespmem:s5+$0xFFFFFFE0];
	[tilespmem:s1+$0x0] =	vst v0  }
0x38: {  	v0 =	vld [tilespmem:s5+$0xFFFFFFF0];
	[tilespmem:s1+$0x10] =	vst v1  }
0x39: {  	v1 =	vld [tilespmem:s5+$0x0];
	[tilespmem:s1+$0x20] =	vst v2  }
0x3a: {  	v2 =	vld [tilespmem:s5+$0x10];
	[tilespmem:s1+$0xFFFFFFC0] =	vst v4  }
0x3b: {  	v4 =	vld [tilespmem:s5+$0x20]  }
0x3c: {  	v7 =	vld [tilespmem:s5+$0xFFFFFFC0]  }
0x3d: {  	v6 =	vld.idx.msk [tilespmem:v6+s23+$0x0], $0xffff  }
0x3e: {  	v8 =	vld.idx.msk [tilespmem:v5+s23+$0x0], $0xffff  }
0x3f: {  	v5 =	vld.idx.msk [tilespmem:v3+s23+$0x0], $0xffff  }
.Ltmp0:
0x40: {  	v3 =	vld.idx.msk [tilespmem:v0+s23+$0x0], $0xffff;
	(pc) =	sbr.rel @p0 .LBB2_2-.Ltmp0, $4  }
0x41: {  	v0 =	vld.idx.msk [tilespmem:v1+s23+$0x0], $0xffff  }
0x42: {  	s1 =	sadd.s32 $0x80, s1;
	v1 =	vld.idx.msk [tilespmem:v2+s23+$0x0], $0xffff  }
0x43: {  	v2 =	vld.idx.msk [tilespmem:v4+s23+$0x0], $0xffff;
	[tilespmem:s1+$0x30] =	vst v6  }
0x44: {  	s5 =	sadd.s32 $0x80, s5;
	v4 =	vld.idx.msk [tilespmem:v7+s23+$0x0], $0xffff;
	[tilespmem:s1+$0xFFFFFFD0] =	vst v8  }
0x45: {  	[tilespmem:s1+$0xFFFFFFE0] =	vst v5  }
0x46: {  	[tilespmem:s1+$0xFFFFFFF0] =	vst v3  }
0x47: {  	[tilespmem:s1+$0x0] =	vst v0  }
0x48: {  	[tilespmem:s1+$0x10] =	vst v1  }
0x49: {  	[tilespmem:s1+$0x20] =	vst v2  }
0x4a: {  	s5 =	simm.s32 $0x19B70;
	[tilespmem:s1+$0xFFFFFFC0] =	vst v4  }
0x4b: {  	[hbm4b:s7+s21] =	stream.strided.scatter [tilespmem:s28], [sflag:$0x4], $0x1000, s22, s21, $0x38;
	[tilespmem:$0x1EB00] =	vst v63  }
0x4c: {  	v0 =	vld [tilespmem:s5+$0x0]  }
0x4d: {  	v1 =	vld [tilespmem:s5+$0xFFFFFFA0]  }
0x4e: {  	v2 =	vld [tilespmem:s5+$0xFFFFFFB0]  }
0x4f: {  	v3 =	vld [tilespmem:s5+$0xFFFFFFC0]  }
0x50: {  	v4 =	vld [tilespmem:s5+$0xFFFFFFD0]  }
0x51: {  	v6 =	vld [tilespmem:s5+$0xFFFFFFE0]  }
0x52: {  	v7 =	vld [tilespmem:s5+$0xFFFFFFF0]  }
0x53: {  	v8 =	vld [tilespmem:s5+$0xFFFFFF90]  }
0x54: {  	v9 =	vld.idx.msk [tilespmem:v0+s23+$0x0], $0xffff  }
0x55: {  	v10 =	vld.idx.msk [tilespmem:v1+s23+$0x0], $0xffff  }
0x56: {  	v5 =	vld.idx.msk [tilespmem:v2+s23+$0x0], $0xffff  }
0x57: {  	v3 =	vld.idx.msk [tilespmem:v3+s23+$0x0], $0xffff  }
0x58: {  	v0 =	vld.idx.msk [tilespmem:v4+s23+$0x0], $0xffff  }
0x59: {  	s1 =	simm.s32 $0x1DB40;
	v1 =	vld.idx.msk [tilespmem:v6+s23+$0x0], $0xffff  }
0x5a: {  	v2 =	vld.idx.msk [tilespmem:v7+s23+$0x0], $0xffff;
	[tilespmem:s1+$0x30] =	vst v9  }
0x5b: {  	s2 =	simm.s32 $0x0;
	s5 =	simm.s32 $0x19BF0;
	v4 =	vld.idx.msk [tilespmem:v8+s23+$0x0], $0xffff;
	[tilespmem:s1+$0xFFFFFFD0] =	vst v10  }
.LBB2_4:
0x5c: {  	v6 =	vld [tilespmem:s5+$0x0];
	s2 =	sadd.s32 $0x8, s2;
	[tilespmem:s1+$0xFFFFFFE0] =	vst v5  }
0x5d: {  	v5 =	vld [tilespmem:s5+$0xFFFFFFA0];
	p0 =	slt.u32 s2, $0xF8;
	[tilespmem:s1+$0xFFFFFFF0] =	vst v3  }
0x5e: {  	v3 =	vld [tilespmem:s5+$0xFFFFFFB0];
	[tilespmem:s1+$0x0] =	vst v0  }
0x5f: {  	v0 =	vld [tilespmem:s5+$0xFFFFFFC0];
	[tilespmem:s1+$0x10] =	vst v1  }
0x60: {  	v1 =	vld [tilespmem:s5+$0xFFFFFFD0];
	[tilespmem:s1+$0x20] =	vst v2  }
0x61: {  	v2 =	vld [tilespmem:s5+$0xFFFFFFE0];
	[tilespmem:s1+$0xFFFFFFC0] =	vst v4  }
0x62: {  	v4 =	vld [tilespmem:s5+$0xFFFFFFF0]  }
0x63: {  	v7 =	vld [tilespmem:s5+$0xFFFFFF90]  }
0x64: {  	v6 =	vld.idx.msk [tilespmem:v6+s23+$0x0], $0xffff  }
0x65: {  	v8 =	vld.idx.msk [tilespmem:v5+s23+$0x0], $0xffff  }
0x66: {  	v5 =	vld.idx.msk [tilespmem:v3+s23+$0x0], $0xffff  }
.Ltmp1:
0x67: {  	v3 =	vld.idx.msk [tilespmem:v0+s23+$0x0], $0xffff;
	(pc) =	sbr.rel @p0 .LBB2_4-.Ltmp1, $4  }
0x68: {  	v0 =	vld.idx.msk [tilespmem:v1+s23+$0x0], $0xffff  }
0x69: {  	s1 =	sadd.s32 $0x80, s1;
	v1 =	vld.idx.msk [tilespmem:v2+s23+$0x0], $0xffff  }
0x6a: {  	v2 =	vld.idx.msk [tilespmem:v4+s23+$0x0], $0xffff;
	[tilespmem:s1+$0x30] =	vst v6  }
0x6b: {  	s5 =	sadd.s32 $0x80, s5;
	v4 =	vld.idx.msk [tilespmem:v7+s23+$0x0], $0xffff;
	[tilespmem:s1+$0xFFFFFFD0] =	vst v8  }
0x6c: {  	[tilespmem:s1+$0xFFFFFFE0] =	vst v5  }
0x6d: {  	[tilespmem:s1+$0xFFFFFFF0] =	vst v3  }
0x6e: {  	[tilespmem:s1+$0x0] =	vst v0  }
0x6f: {  	[tilespmem:s1+$0x10] =	vst v1  }
0x70: {  	[tilespmem:s1+$0x20] =	vst v2  }
0x71: {  	[tilespmem:s1+$0xFFFFFFC0] =	vst v4  }
0x72: {  	[hbm4b:s8+s21] =	stream.strided.scatter [tilespmem:s29], [sflag:$0x5], $0x1000, s22, s21, $0x38;
	[tilespmem:$0x1EB00] =	vst v63  }
0x73: {  	_ =	swait.ge [sflag:s30], $0x1000  }
0x74: {  	[sflag:s30] =	ssyncset.done $0x0  }
0x75: {  	s5 =	simm.s32 $0x1AB70;
	[sflag:s30] =	ssyncadd.s32 $0xFFFFF000  }
0x76: {  	v0 =	vld [tilespmem:s5+$0x0]  }
0x77: {  	v1 =	vld [tilespmem:s5+$0xFFFFFFA0]  }
0x78: {  	v2 =	vld [tilespmem:s5+$0xFFFFFFB0]  }
0x79: {  	v3 =	vld [tilespmem:s5+$0xFFFFFFC0]  }
0x7a: {  	v4 =	vld [tilespmem:s5+$0xFFFFFFD0]  }
0x7b: {  	v6 =	vld [tilespmem:s5+$0xFFFFFFE0]  }
0x7c: {  	v7 =	vld [tilespmem:s5+$0xFFFFFFF0]  }
0x7d: {  	v8 =	vld [tilespmem:s5+$0xFFFFFF90]  }
0x7e: {  	v9 =	vld.idx.msk [tilespmem:v0+s23+$0x0], $0xffff  }
0x7f: {  	v10 =	vld.idx.msk [tilespmem:v1+s23+$0x0], $0xffff  }
0x80: {  	v5 =	vld.idx.msk [tilespmem:v2+s23+$0x0], $0xffff  }
0x81: {  	v3 =	vld.idx.msk [tilespmem:v3+s23+$0x0], $0xffff  }
0x82: {  	v0 =	vld.idx.msk [tilespmem:v4+s23+$0x0], $0xffff  }
0x83: {  	s1 =	simm.s32 $0x1CB40;
	v1 =	vld.idx.msk [tilespmem:v6+s23+$0x0], $0xffff  }
0x84: {  	v2 =	vld.idx.msk [tilespmem:v7+s23+$0x0], $0xffff;
	[tilespmem:s1+$0x30] =	vst v9  }
0x85: {  	s2 =	simm.s32 $0x0;
	s5 =	simm.s32 $0x1ABF0;
	v4 =	vld.idx.msk [tilespmem:v8+s23+$0x0], $0xffff;
	[tilespmem:s1+$0xFFFFFFD0] =	vst v10  }
.LBB2_6:
0x86: {  	v6 =	vld [tilespmem:s5+$0x0];
	s2 =	sadd.s32 $0x8, s2;
	[tilespmem:s1+$0xFFFFFFE0] =	vst v5  }
0x87: {  	v5 =	vld [tilespmem:s5+$0xFFFFFFA0];
	p0 =	slt.u32 s2, $0xF8;
	[tilespmem:s1+$0xFFFFFFF0] =	vst v3  }
0x88: {  	v3 =	vld [tilespmem:s5+$0xFFFFFFB0];
	[tilespmem:s1+$0x0] =	vst v0  }
0x89: {  	v0 =	vld [tilespmem:s5+$0xFFFFFFC0];
	[tilespmem:s1+$0x10] =	vst v1  }
0x8a: {  	v1 =	vld [tilespmem:s5+$0xFFFFFFD0];
	[tilespmem:s1+$0x20] =	vst v2  }
0x8b: {  	v2 =	vld [tilespmem:s5+$0xFFFFFFE0];
	[tilespmem:s1+$0xFFFFFFC0] =	vst v4  }
0x8c: {  	v4 =	vld [tilespmem:s5+$0xFFFFFFF0]  }
0x8d: {  	v7 =	vld [tilespmem:s5+$0xFFFFFF90]  }
0x8e: {  	v6 =	vld.idx.msk [tilespmem:v6+s23+$0x0], $0xffff  }
0x8f: {  	v8 =	vld.idx.msk [tilespmem:v5+s23+$0x0], $0xffff  }
0x90: {  	v5 =	vld.idx.msk [tilespmem:v3+s23+$0x0], $0xffff  }
.Ltmp2:
0x91: {  	v3 =	vld.idx.msk [tilespmem:v0+s23+$0x0], $0xffff;
	(pc) =	sbr.rel @p0 .LBB2_6-.Ltmp2, $4  }
0x92: {  	v0 =	vld.idx.msk [tilespmem:v1+s23+$0x0], $0xffff  }
0x93: {  	s1 =	sadd.s32 $0x80, s1;
	v1 =	vld.idx.msk [tilespmem:v2+s23+$0x0], $0xffff  }
0x94: {  	v2 =	vld.idx.msk [tilespmem:v4+s23+$0x0], $0xffff;
	[tilespmem:s1+$0x30] =	vst v6  }
0x95: {  	s5 =	sadd.s32 $0x80, s5;
	v4 =	vld.idx.msk [tilespmem:v7+s23+$0x0], $0xffff;
	[tilespmem:s1+$0xFFFFFFD0] =	vst v8  }
0x96: {  	[tilespmem:s1+$0xFFFFFFE0] =	vst v5  }
0x97: {  	[tilespmem:s1+$0xFFFFFFF0] =	vst v3  }
0x98: {  	[tilespmem:s1+$0x0] =	vst v0  }
0x99: {  	[tilespmem:s1+$0x10] =	vst v1  }
0x9a: {  	[tilespmem:s1+$0x20] =	vst v2  }
0x9b: {  	[tilespmem:s1+$0xFFFFFFC0] =	vst v4  }
0x9c: {  	[hbm4b:s9+s21] =	stream.strided.scatter [tilespmem:s28], [sflag:$0x4], $0x1000, s22, s21, $0x38;
	[tilespmem:$0x1EB00] =	vst v63  }
0x9d: {  	_ =	swait.ge [sflag:s31], $0x1000  }
0x9e: {  	[sflag:s31] =	ssyncset.done $0x0  }
0x9f: {  	s5 =	simm.s32 $0x1BB70;
	[sflag:s31] =	ssyncadd.s32 $0xFFFFF000  }
0xa0: {  	v0 =	vld [tilespmem:s5+$0x0]  }
0xa1: {  	v1 =	vld [tilespmem:s5+$0xFFFFFFA0]  }
0xa2: {  	v2 =	vld [tilespmem:s5+$0xFFFFFFB0]  }
0xa3: {  	v3 =	vld [tilespmem:s5+$0xFFFFFFC0]  }
0xa4: {  	v4 =	vld [tilespmem:s5+$0xFFFFFFD0]  }
0xa5: {  	v6 =	vld [tilespmem:s5+$0xFFFFFFE0]  }
0xa6: {  	v7 =	vld [tilespmem:s5+$0xFFFFFFF0]  }
0xa7: {  	v8 =	vld [tilespmem:s5+$0xFFFFFF90]  }
0xa8: {  	v9 =	vld.idx.msk [tilespmem:v0+s23+$0x0], $0xffff  }
0xa9: {  	v10 =	vld.idx.msk [tilespmem:v1+s23+$0x0], $0xffff  }
0xaa: {  	v5 =	vld.idx.msk [tilespmem:v2+s23+$0x0], $0xffff  }
0xab: {  	v3 =	vld.idx.msk [tilespmem:v3+s23+$0x0], $0xffff  }
0xac: {  	v0 =	vld.idx.msk [tilespmem:v4+s23+$0x0], $0xffff  }
0xad: {  	s1 =	simm.s32 $0x1DB40;
	v1 =	vld.idx.msk [tilespmem:v6+s23+$0x0], $0xffff  }
0xae: {  	v2 =	vld.idx.msk [tilespmem:v7+s23+$0x0], $0xffff;
	[tilespmem:s1+$0x30] =	vst v9  }
0xaf: {  	s2 =	simm.s32 $0x0;
	s5 =	simm.s32 $0x1BBF0;
	v4 =	vld.idx.msk [tilespmem:v8+s23+$0x0], $0xffff;
	[tilespmem:s1+$0xFFFFFFD0] =	vst v10  }
.LBB2_8:
0xb0: {  	v6 =	vld [tilespmem:s5+$0x0];
	s2 =	sadd.s32 $0x8, s2;
	[tilespmem:s1+$0xFFFFFFE0] =	vst v5  }
0xb1: {  	v5 =	vld [tilespmem:s5+$0xFFFFFFA0];
	p0 =	slt.u32 s2, $0xF8;
	[tilespmem:s1+$0xFFFFFFF0] =	vst v3  }
0xb2: {  	v3 =	vld [tilespmem:s5+$0xFFFFFFB0];
	[tilespmem:s1+$0x0] =	vst v0  }
0xb3: {  	v0 =	vld [tilespmem:s5+$0xFFFFFFC0];
	[tilespmem:s1+$0x10] =	vst v1  }
0xb4: {  	v1 =	vld [tilespmem:s5+$0xFFFFFFD0];
	[tilespmem:s1+$0x20] =	vst v2  }
0xb5: {  	v2 =	vld [tilespmem:s5+$0xFFFFFFE0];
	[tilespmem:s1+$0xFFFFFFC0] =	vst v4  }
0xb6: {  	v4 =	vld [tilespmem:s5+$0xFFFFFFF0]  }
0xb7: {  	v7 =	vld [tilespmem:s5+$0xFFFFFF90]  }
0xb8: {  	v6 =	vld.idx.msk [tilespmem:v6+s23+$0x0], $0xffff  }
0xb9: {  	v8 =	vld.idx.msk [tilespmem:v5+s23+$0x0], $0xffff  }
0xba: {  	v5 =	vld.idx.msk [tilespmem:v3+s23+$0x0], $0xffff  }
.Ltmp3:
0xbb: {  	v3 =	vld.idx.msk [tilespmem:v0+s23+$0x0], $0xffff;
	(pc) =	sbr.rel @p0 .LBB2_8-.Ltmp3, $4  }
0xbc: {  	v0 =	vld.idx.msk [tilespmem:v1+s23+$0x0], $0xffff  }
0xbd: {  	s1 =	sadd.s32 $0x80, s1;
	v1 =	vld.idx.msk [tilespmem:v2+s23+$0x0], $0xffff  }
0xbe: {  	v2 =	vld.idx.msk [tilespmem:v4+s23+$0x0], $0xffff;
	[tilespmem:s1+$0x30] =	vst v6  }
0xbf: {  	s5 =	sadd.s32 $0x80, s5;
	v4 =	vld.idx.msk [tilespmem:v7+s23+$0x0], $0xffff;
	[tilespmem:s1+$0xFFFFFFD0] =	vst v8  }
0xc0: {  	[tilespmem:s1+$0xFFFFFFE0] =	vst v5  }
0xc1: {  	[tilespmem:s1+$0xFFFFFFF0] =	vst v3  }
0xc2: {  	[tilespmem:s1+$0x0] =	vst v0  }
0xc3: {  	[tilespmem:s1+$0x10] =	vst v1  }
0xc4: {  	[tilespmem:s1+$0x20] =	vst v2  }
0xc5: {  	[tilespmem:s1+$0xFFFFFFC0] =	vst v4  }
0xc6: {  	[hbm4b:s10+s21] =	stream.strided.scatter [tilespmem:s29], [sflag:$0x5], $0x1000, s22, s21, $0x38;
	[tilespmem:$0x1EB00] =	vst v63  }
0xc7: {  	s2 =	rddreg [dreg:$0x0]  }
0xc8: {  	[tilespmem:s24], [sflag:$0x2] =	stream.linear.gather [hbm4b:s2+s3], $0x4000, $0x38;
	[tilespmem:$0x1EB00] =	vst v63  }
0xc9: {  	_ =	swait.ge [sflag:s26], $0x4000  }
0xca: {  	[sflag:s26] =	ssyncset.done $0x0  }
0xcb: {  	[sflag:s26] =	ssyncadd.s32 $0xFFFFC000  }
0xcc: {  	_ =	swait.ge [sflag:s0], $0x18700  }
0xcd: {  	[sflag:s0] =	ssyncset.done $0x0  }
0xce: {  	[sflag:s0] =	ssyncadd.s32 $0xFFFE7900  }
0xcf: {  	_ =	swait.ge [sflag:s30], $0x1000  }
0xd0: {  	[sflag:s30] =	ssyncset.done $0x0  }
0xd1: {  	s5 =	simm.s32 $0x18B40;
	[sflag:s30] =	ssyncadd.s32 $0xFFFFF000  }
0xd2: {  	v0 =	vld [tilespmem:s5+$0x30]  }
0xd3: {  	v1 =	vld [tilespmem:s5+$0xFFFFFFD0]  }
0xd4: {  	v2 =	vld [tilespmem:s5+$0xFFFFFFE0]  }
0xd5: {  	v3 =	vld [tilespmem:s5+$0xFFFFFFF0]  }
0xd6: {  	v4 =	vld [tilespmem:s5+$0x0]  }
0xd7: {  	v6 =	vld [tilespmem:s5+$0x10]  }
0xd8: {  	v7 =	vld [tilespmem:s5+$0x20]  }
0xd9: {  	v8 =	vld [tilespmem:s5+$0xFFFFFFC0]  }
0xda: {  	v9 =	vld.idx.msk [tilespmem:v0+s3+$0x0], $0xffff  }
0xdb: {  	v10 =	vld.idx.msk [tilespmem:v1+s3+$0x0], $0xffff  }
0xdc: {  	v5 =	vld.idx.msk [tilespmem:v2+s3+$0x0], $0xffff  }
0xdd: {  	v3 =	vld.idx.msk [tilespmem:v3+s3+$0x0], $0xffff  }
0xde: {  	v0 =	vld.idx.msk [tilespmem:v4+s3+$0x0], $0xffff  }
0xdf: {  	s1 =	simm.s32 $0x1CB40;
	v1 =	vld.idx.msk [tilespmem:v6+s3+$0x0], $0xffff  }
0xe0: {  	v2 =	vld.idx.msk [tilespmem:v7+s3+$0x0], $0xffff;
	[tilespmem:s1+$0x30] =	vst v9  }
0xe1: {  	s2 =	simm.s32 $0x0;
	s5 =	simm.s32 $0x18BC0;
	v4 =	vld.idx.msk [tilespmem:v8+s3+$0x0], $0xffff;
	[tilespmem:s1+$0xFFFFFFD0] =	vst v10  }
.LBB2_10:
0xe2: {  	v6 =	vld [tilespmem:s5+$0x30];
	s2 =	sadd.s32 $0x8, s2;
	[tilespmem:s1+$0xFFFFFFE0] =	vst v5  }
0xe3: {  	v5 =	vld [tilespmem:s5+$0xFFFFFFD0];
	p0 =	slt.u32 s2, $0xF8;
	[tilespmem:s1+$0xFFFFFFF0] =	vst v3  }
0xe4: {  	v3 =	vld [tilespmem:s5+$0xFFFFFFE0];
	[tilespmem:s1+$0x0] =	vst v0  }
0xe5: {  	v0 =	vld [tilespmem:s5+$0xFFFFFFF0];
	[tilespmem:s1+$0x10] =	vst v1  }
0xe6: {  	v1 =	vld [tilespmem:s5+$0x0];
	[tilespmem:s1+$0x20] =	vst v2  }
0xe7: {  	v2 =	vld [tilespmem:s5+$0x10];
	[tilespmem:s1+$0xFFFFFFC0] =	vst v4  }
0xe8: {  	v4 =	vld [tilespmem:s5+$0x20]  }
0xe9: {  	v7 =	vld [tilespmem:s5+$0xFFFFFFC0]  }
0xea: {  	v6 =	vld.idx.msk [tilespmem:v6+s3+$0x0], $0xffff  }
0xeb: {  	v8 =	vld.idx.msk [tilespmem:v5+s3+$0x0], $0xffff  }
0xec: {  	v5 =	vld.idx.msk [tilespmem:v3+s3+$0x0], $0xffff  }
.Ltmp4:
0xed: {  	v3 =	vld.idx.msk [tilespmem:v0+s3+$0x0], $0xffff;
	(pc) =	sbr.rel @p0 .LBB2_10-.Ltmp4, $4  }
0xee: {  	v0 =	vld.idx.msk [tilespmem:v1+s3+$0x0], $0xffff  }
0xef: {  	s1 =	sadd.s32 $0x80, s1;
	v1 =	vld.idx.msk [tilespmem:v2+s3+$0x0], $0xffff  }
0xf0: {  	v2 =	vld.idx.msk [tilespmem:v4+s3+$0x0], $0xffff;
	[tilespmem:s1+$0x30] =	vst v6  }
0xf1: {  	s5 =	sadd.s32 $0x80, s5;
	v4 =	vld.idx.msk [tilespmem:v7+s3+$0x0], $0xffff;
	[tilespmem:s1+$0xFFFFFFD0] =	vst v8  }
0xf2: {  	[tilespmem:s1+$0xFFFFFFE0] =	vst v5  }
0xf3: {  	[tilespmem:s1+$0xFFFFFFF0] =	vst v3  }
0xf4: {  	[tilespmem:s1+$0x0] =	vst v0  }
0xf5: {  	[tilespmem:s1+$0x10] =	vst v1  }
0xf6: {  	[tilespmem:s1+$0x20] =	vst v2  }
0xf7: {  	[tilespmem:s1+$0xFFFFFFC0] =	vst v4  }
0xf8: {  	[hbm4b:s11+s21] =	stream.strided.scatter [tilespmem:s28], [sflag:$0x4], $0x1000, s22, s21, $0x38;
	[tilespmem:$0x1EB00] =	vst v63  }
0xf9: {  	_ =	swait.ge [sflag:s31], $0x1000  }
0xfa: {  	[sflag:s31] =	ssyncset.done $0x0  }
0xfb: {  	s5 =	simm.s32 $0x19B70;
	[sflag:s31] =	ssyncadd.s32 $0xFFFFF000  }
0xfc: {  	v0 =	vld [tilespmem:s5+$0x0]  }
0xfd: {  	v1 =	vld [tilespmem:s5+$0xFFFFFFA0]  }
0xfe: {  	v2 =	vld [tilespmem:s5+$0xFFFFFFB0]  }
0xff: {  	v3 =	vld [tilespmem:s5+$0xFFFFFFC0]  }
0x100: {  	v4 =	vld [tilespmem:s5+$0xFFFFFFD0]  }
0x101: {  	v6 =	vld [tilespmem:s5+$0xFFFFFFE0]  }
0x102: {  	v7 =	vld [tilespmem:s5+$0xFFFFFFF0]  }
0x103: {  	v8 =	vld [tilespmem:s5+$0xFFFFFF90]  }
0x104: {  	v9 =	vld.idx.msk [tilespmem:v0+s3+$0x0], $0xffff  }
0x105: {  	v10 =	vld.idx.msk [tilespmem:v1+s3+$0x0], $0xffff  }
0x106: {  	v5 =	vld.idx.msk [tilespmem:v2+s3+$0x0], $0xffff  }
0x107: {  	v3 =	vld.idx.msk [tilespmem:v3+s3+$0x0], $0xffff  }
0x108: {  	v0 =	vld.idx.msk [tilespmem:v4+s3+$0x0], $0xffff  }
0x109: {  	s1 =	simm.s32 $0x1DB40;
	v1 =	vld.idx.msk [tilespmem:v6+s3+$0x0], $0xffff  }
0x10a: {  	v2 =	vld.idx.msk [tilespmem:v7+s3+$0x0], $0xffff;
	[tilespmem:s1+$0x30] =	vst v9  }
0x10b: {  	s2 =	simm.s32 $0x0;
	s5 =	simm.s32 $0x19BF0;
	v4 =	vld.idx.msk [tilespmem:v8+s3+$0x0], $0xffff;
	[tilespmem:s1+$0xFFFFFFD0] =	vst v10  }
.LBB2_12:
0x10c: {  	v6 =	vld [tilespmem:s5+$0x0];
	s2 =	sadd.s32 $0x8, s2;
	[tilespmem:s1+$0xFFFFFFE0] =	vst v5  }
0x10d: {  	v5 =	vld [tilespmem:s5+$0xFFFFFFA0];
	p0 =	slt.u32 s2, $0xF8;
	[tilespmem:s1+$0xFFFFFFF0] =	vst v3  }
0x10e: {  	v3 =	vld [tilespmem:s5+$0xFFFFFFB0];
	[tilespmem:s1+$0x0] =	vst v0  }
0x10f: {  	v0 =	vld [tilespmem:s5+$0xFFFFFFC0];
	[tilespmem:s1+$0x10] =	vst v1  }
0x110: {  	v1 =	vld [tilespmem:s5+$0xFFFFFFD0];
	[tilespmem:s1+$0x20] =	vst v2  }
0x111: {  	v2 =	vld [tilespmem:s5+$0xFFFFFFE0];
	[tilespmem:s1+$0xFFFFFFC0] =	vst v4  }
0x112: {  	v4 =	vld [tilespmem:s5+$0xFFFFFFF0]  }
0x113: {  	v7 =	vld [tilespmem:s5+$0xFFFFFF90]  }
0x114: {  	v6 =	vld.idx.msk [tilespmem:v6+s3+$0x0], $0xffff  }
0x115: {  	v8 =	vld.idx.msk [tilespmem:v5+s3+$0x0], $0xffff  }
0x116: {  	v5 =	vld.idx.msk [tilespmem:v3+s3+$0x0], $0xffff  }
.Ltmp5:
0x117: {  	v3 =	vld.idx.msk [tilespmem:v0+s3+$0x0], $0xffff;
	(pc) =	sbr.rel @p0 .LBB2_12-.Ltmp5, $4  }
0x118: {  	v0 =	vld.idx.msk [tilespmem:v1+s3+$0x0], $0xffff  }
0x119: {  	s1 =	sadd.s32 $0x80, s1;
	v1 =	vld.idx.msk [tilespmem:v2+s3+$0x0], $0xffff  }
0x11a: {  	v2 =	vld.idx.msk [tilespmem:v4+s3+$0x0], $0xffff;
	[tilespmem:s1+$0x30] =	vst v6  }
0x11b: {  	s5 =	sadd.s32 $0x80, s5;
	v4 =	vld.idx.msk [tilespmem:v7+s3+$0x0], $0xffff;
	[tilespmem:s1+$0xFFFFFFD0] =	vst v8  }
0x11c: {  	[tilespmem:s1+$0xFFFFFFE0] =	vst v5  }
0x11d: {  	[tilespmem:s1+$0xFFFFFFF0] =	vst v3  }
0x11e: {  	[tilespmem:s1+$0x0] =	vst v0  }
0x11f: {  	[tilespmem:s1+$0x10] =	vst v1  }
0x120: {  	[tilespmem:s1+$0x20] =	vst v2  }
0x121: {  	[tilespmem:s1+$0xFFFFFFC0] =	vst v4  }
0x122: {  	[hbm4b:s12+s21] =	stream.strided.scatter [tilespmem:s29], [sflag:$0x5], $0x1000, s22, s21, $0x38;
	[tilespmem:$0x1EB00] =	vst v63  }
0x123: {  	_ =	swait.ge [sflag:s30], $0x1000  }
0x124: {  	[sflag:s30] =	ssyncset.done $0x0  }
0x125: {  	s5 =	simm.s32 $0x1AB70;
	[sflag:s30] =	ssyncadd.s32 $0xFFFFF000  }
0x126: {  	v0 =	vld [tilespmem:s5+$0x0]  }
0x127: {  	v1 =	vld [tilespmem:s5+$0xFFFFFFA0]  }
0x128: {  	v2 =	vld [tilespmem:s5+$0xFFFFFFB0]  }
0x129: {  	v3 =	vld [tilespmem:s5+$0xFFFFFFC0]  }
0x12a: {  	v4 =	vld [tilespmem:s5+$0xFFFFFFD0]  }
0x12b: {  	v6 =	vld [tilespmem:s5+$0xFFFFFFE0]  }
0x12c: {  	v7 =	vld [tilespmem:s5+$0xFFFFFFF0]  }
0x12d: {  	v8 =	vld [tilespmem:s5+$0xFFFFFF90]  }
0x12e: {  	v9 =	vld.idx.msk [tilespmem:v0+s3+$0x0], $0xffff  }
0x12f: {  	v10 =	vld.idx.msk [tilespmem:v1+s3+$0x0], $0xffff  }
0x130: {  	v5 =	vld.idx.msk [tilespmem:v2+s3+$0x0], $0xffff  }
0x131: {  	v3 =	vld.idx.msk [tilespmem:v3+s3+$0x0], $0xffff  }
0x132: {  	v0 =	vld.idx.msk [tilespmem:v4+s3+$0x0], $0xffff  }
0x133: {  	s1 =	simm.s32 $0x1CB40;
	v1 =	vld.idx.msk [tilespmem:v6+s3+$0x0], $0xffff  }
0x134: {  	v2 =	vld.idx.msk [tilespmem:v7+s3+$0x0], $0xffff;
	[tilespmem:s1+$0x30] =	vst v9  }
0x135: {  	s2 =	simm.s32 $0x0;
	s5 =	simm.s32 $0x1ABF0;
	v4 =	vld.idx.msk [tilespmem:v8+s3+$0x0], $0xffff;
	[tilespmem:s1+$0xFFFFFFD0] =	vst v10  }
.LBB2_14:
0x136: {  	v6 =	vld [tilespmem:s5+$0x0];
	s2 =	sadd.s32 $0x8, s2;
	[tilespmem:s1+$0xFFFFFFE0] =	vst v5  }
0x137: {  	v5 =	vld [tilespmem:s5+$0xFFFFFFA0];
	p0 =	slt.u32 s2, $0xF8;
	[tilespmem:s1+$0xFFFFFFF0] =	vst v3  }
0x138: {  	v3 =	vld [tilespmem:s5+$0xFFFFFFB0];
	[tilespmem:s1+$0x0] =	vst v0  }
0x139: {  	v0 =	vld [tilespmem:s5+$0xFFFFFFC0];
	[tilespmem:s1+$0x10] =	vst v1  }
0x13a: {  	v1 =	vld [tilespmem:s5+$0xFFFFFFD0];
	[tilespmem:s1+$0x20] =	vst v2  }
0x13b: {  	v2 =	vld [tilespmem:s5+$0xFFFFFFE0];
	[tilespmem:s1+$0xFFFFFFC0] =	vst v4  }
0x13c: {  	v4 =	vld [tilespmem:s5+$0xFFFFFFF0]  }
0x13d: {  	v7 =	vld [tilespmem:s5+$0xFFFFFF90]  }
0x13e: {  	v6 =	vld.idx.msk [tilespmem:v6+s3+$0x0], $0xffff  }
0x13f: {  	v8 =	vld.idx.msk [tilespmem:v5+s3+$0x0], $0xffff  }
0x140: {  	v5 =	vld.idx.msk [tilespmem:v3+s3+$0x0], $0xffff  }
.Ltmp6:
0x141: {  	v3 =	vld.idx.msk [tilespmem:v0+s3+$0x0], $0xffff;
	(pc) =	sbr.rel @p0 .LBB2_14-.Ltmp6, $4  }
0x142: {  	v0 =	vld.idx.msk [tilespmem:v1+s3+$0x0], $0xffff  }
0x143: {  	s1 =	sadd.s32 $0x80, s1;
	v1 =	vld.idx.msk [tilespmem:v2+s3+$0x0], $0xffff  }
0x144: {  	v2 =	vld.idx.msk [tilespmem:v4+s3+$0x0], $0xffff;
	[tilespmem:s1+$0x30] =	vst v6  }
0x145: {  	s5 =	sadd.s32 $0x80, s5;
	v4 =	vld.idx.msk [tilespmem:v7+s3+$0x0], $0xffff;
	[tilespmem:s1+$0xFFFFFFD0] =	vst v8  }
0x146: {  	[tilespmem:s1+$0xFFFFFFE0] =	vst v5  }
0x147: {  	[tilespmem:s1+$0xFFFFFFF0] =	vst v3  }
0x148: {  	[tilespmem:s1+$0x0] =	vst v0  }
0x149: {  	[tilespmem:s1+$0x10] =	vst v1  }
0x14a: {  	[tilespmem:s1+$0x20] =	vst v2  }
0x14b: {  	[tilespmem:s1+$0xFFFFFFC0] =	vst v4  }
0x14c: {  	[hbm4b:s13+s21] =	stream.strided.scatter [tilespmem:s28], [sflag:$0x4], $0x1000, s22, s21, $0x38;
	[tilespmem:$0x1EB00] =	vst v63  }
0x14d: {  	_ =	swait.ge [sflag:s31], $0x1000  }
0x14e: {  	[sflag:s31] =	ssyncset.done $0x0  }
0x14f: {  	s5 =	simm.s32 $0x1BB70;
	[sflag:s31] =	ssyncadd.s32 $0xFFFFF000  }
0x150: {  	v0 =	vld [tilespmem:s5+$0x0]  }
0x151: {  	v1 =	vld [tilespmem:s5+$0xFFFFFFA0]  }
0x152: {  	v2 =	vld [tilespmem:s5+$0xFFFFFFB0]  }
0x153: {  	v3 =	vld [tilespmem:s5+$0xFFFFFFC0]  }
0x154: {  	v4 =	vld [tilespmem:s5+$0xFFFFFFD0]  }
0x155: {  	v6 =	vld [tilespmem:s5+$0xFFFFFFE0]  }
0x156: {  	v7 =	vld [tilespmem:s5+$0xFFFFFFF0]  }
0x157: {  	v8 =	vld [tilespmem:s5+$0xFFFFFF90]  }
0x158: {  	v9 =	vld.idx.msk [tilespmem:v0+s3+$0x0], $0xffff  }
0x159: {  	v10 =	vld.idx.msk [tilespmem:v1+s3+$0x0], $0xffff  }
0x15a: {  	v5 =	vld.idx.msk [tilespmem:v2+s3+$0x0], $0xffff  }
0x15b: {  	v3 =	vld.idx.msk [tilespmem:v3+s3+$0x0], $0xffff  }
0x15c: {  	v0 =	vld.idx.msk [tilespmem:v4+s3+$0x0], $0xffff  }
0x15d: {  	s1 =	simm.s32 $0x1DB40;
	v1 =	vld.idx.msk [tilespmem:v6+s3+$0x0], $0xffff  }
0x15e: {  	v2 =	vld.idx.msk [tilespmem:v7+s3+$0x0], $0xffff;
	[tilespmem:s1+$0x30] =	vst v9  }
0x15f: {  	s2 =	simm.s32 $0x0;
	s5 =	simm.s32 $0x1BBF0;
	v4 =	vld.idx.msk [tilespmem:v8+s3+$0x0], $0xffff;
	[tilespmem:s1+$0xFFFFFFD0] =	vst v10  }
.LBB2_16:
0x160: {  	v6 =	vld [tilespmem:s5+$0x0];
	s2 =	sadd.s32 $0x8, s2;
	[tilespmem:s1+$0xFFFFFFE0] =	vst v5  }
0x161: {  	v5 =	vld [tilespmem:s5+$0xFFFFFFA0];
	p0 =	slt.u32 s2, $0xF8;
	[tilespmem:s1+$0xFFFFFFF0] =	vst v3  }
0x162: {  	v3 =	vld [tilespmem:s5+$0xFFFFFFB0];
	[tilespmem:s1+$0x0] =	vst v0  }
0x163: {  	v0 =	vld [tilespmem:s5+$0xFFFFFFC0];
	[tilespmem:s1+$0x10] =	vst v1  }
0x164: {  	v1 =	vld [tilespmem:s5+$0xFFFFFFD0];
	[tilespmem:s1+$0x20] =	vst v2  }
0x165: {  	v2 =	vld [tilespmem:s5+$0xFFFFFFE0];
	[tilespmem:s1+$0xFFFFFFC0] =	vst v4  }
0x166: {  	v4 =	vld [tilespmem:s5+$0xFFFFFFF0]  }
0x167: {  	v7 =	vld [tilespmem:s5+$0xFFFFFF90]  }
0x168: {  	v6 =	vld.idx.msk [tilespmem:v6+s3+$0x0], $0xffff  }
0x169: {  	v8 =	vld.idx.msk [tilespmem:v5+s3+$0x0], $0xffff  }
0x16a: {  	v5 =	vld.idx.msk [tilespmem:v3+s3+$0x0], $0xffff  }
.Ltmp7:
0x16b: {  	v3 =	vld.idx.msk [tilespmem:v0+s3+$0x0], $0xffff;
	(pc) =	sbr.rel @p0 .LBB2_16-.Ltmp7, $4  }
0x16c: {  	v0 =	vld.idx.msk [tilespmem:v1+s3+$0x0], $0xffff  }
0x16d: {  	s1 =	sadd.s32 $0x80, s1;
	v1 =	vld.idx.msk [tilespmem:v2+s3+$0x0], $0xffff  }
0x16e: {  	v2 =	vld.idx.msk [tilespmem:v4+s3+$0x0], $0xffff;
	[tilespmem:s1+$0x30] =	vst v6  }
0x16f: {  	s5 =	sadd.s32 $0x80, s5;
	v4 =	vld.idx.msk [tilespmem:v7+s3+$0x0], $0xffff;
	[tilespmem:s1+$0xFFFFFFD0] =	vst v8  }
0x170: {  	[tilespmem:s1+$0xFFFFFFE0] =	vst v5  }
0x171: {  	[tilespmem:s1+$0xFFFFFFF0] =	vst v3  }
0x172: {  	[tilespmem:s1+$0x0] =	vst v0  }
0x173: {  	[tilespmem:s1+$0x10] =	vst v1  }
0x174: {  	[tilespmem:s1+$0x20] =	vst v2  }
0x175: {  	[tilespmem:s1+$0xFFFFFFC0] =	vst v4  }
0x176: {  	[hbm4b:s15+s21] =	stream.strided.scatter [tilespmem:s29], [sflag:$0x5], $0x1000, s22, s21, $0x38;
	[tilespmem:$0x1EB00] =	vst v63  }
0x177: {  	_ = 	snop  }
0x178: {  	[tilespmem:s3], [sflag:$0x1] =	stream.strided.gather [hbm4b:s16+s21], $0x18700, s22, s21, $0x38;
	[tilespmem:$0x1EB00] =	vst v63  }
0x179: {  	_ =	swait.ge [sflag:s0], $0x18700  }
0x17a: {  	[sflag:s0] =	ssyncset.done $0x0  }
0x17b: {  	[sflag:s0] =	ssyncadd.s32 $0xFFFE7900  }
0x17c: {  	_ =	swait.ge [sflag:s30], $0x1000  }
0x17d: {  	[sflag:s30] =	ssyncset.done $0x0  }
0x17e: {  	s5 =	simm.s32 $0x18B40;
	[sflag:s30] =	ssyncadd.s32 $0xFFFFF000  }
0x17f: {  	v0 =	vld [tilespmem:s5+$0x30]  }
0x180: {  	v1 =	vld [tilespmem:s5+$0xFFFFFFD0]  }
0x181: {  	v2 =	vld [tilespmem:s5+$0xFFFFFFE0]  }
0x182: {  	v3 =	vld [tilespmem:s5+$0xFFFFFFF0]  }
0x183: {  	v4 =	vld [tilespmem:s5+$0x0]  }
0x184: {  	v6 =	vld [tilespmem:s5+$0x10]  }
0x185: {  	v7 =	vld [tilespmem:s5+$0x20]  }
0x186: {  	v8 =	vld [tilespmem:s5+$0xFFFFFFC0]  }
0x187: {  	v9 =	vld.idx.msk [tilespmem:v0+s3+$0x0], $0xffff  }
0x188: {  	v10 =	vld.idx.msk [tilespmem:v1+s3+$0x0], $0xffff  }
0x189: {  	v5 =	vld.idx.msk [tilespmem:v2+s3+$0x0], $0xffff  }
0x18a: {  	v3 =	vld.idx.msk [tilespmem:v3+s3+$0x0], $0xffff  }
0x18b: {  	v0 =	vld.idx.msk [tilespmem:v4+s3+$0x0], $0xffff  }
0x18c: {  	s1 =	simm.s32 $0x1CB40;
	v1 =	vld.idx.msk [tilespmem:v6+s3+$0x0], $0xffff  }
0x18d: {  	v2 =	vld.idx.msk [tilespmem:v7+s3+$0x0], $0xffff;
	[tilespmem:s1+$0x30] =	vst v9  }
0x18e: {  	s2 =	simm.s32 $0x0;
	s5 =	simm.s32 $0x18BC0;
	v4 =	vld.idx.msk [tilespmem:v8+s3+$0x0], $0xffff;
	[tilespmem:s1+$0xFFFFFFD0] =	vst v10  }
.LBB2_18:
0x18f: {  	v6 =	vld [tilespmem:s5+$0x30];
	s2 =	sadd.s32 $0x8, s2;
	[tilespmem:s1+$0xFFFFFFE0] =	vst v5  }
0x190: {  	v5 =	vld [tilespmem:s5+$0xFFFFFFD0];
	p0 =	slt.u32 s2, $0xF8;
	[tilespmem:s1+$0xFFFFFFF0] =	vst v3  }
0x191: {  	v3 =	vld [tilespmem:s5+$0xFFFFFFE0];
	[tilespmem:s1+$0x0] =	vst v0  }
0x192: {  	v0 =	vld [tilespmem:s5+$0xFFFFFFF0];
	[tilespmem:s1+$0x10] =	vst v1  }
0x193: {  	v1 =	vld [tilespmem:s5+$0x0];
	[tilespmem:s1+$0x20] =	vst v2  }
0x194: {  	v2 =	vld [tilespmem:s5+$0x10];
	[tilespmem:s1+$0xFFFFFFC0] =	vst v4  }
0x195: {  	v4 =	vld [tilespmem:s5+$0x20]  }
0x196: {  	v7 =	vld [tilespmem:s5+$0xFFFFFFC0]  }
0x197: {  	v6 =	vld.idx.msk [tilespmem:v6+s3+$0x0], $0xffff  }
0x198: {  	v8 =	vld.idx.msk [tilespmem:v5+s3+$0x0], $0xffff  }
0x199: {  	v5 =	vld.idx.msk [tilespmem:v3+s3+$0x0], $0xffff  }
.Ltmp8:
0x19a: {  	v3 =	vld.idx.msk [tilespmem:v0+s3+$0x0], $0xffff;
	(pc) =	sbr.rel @p0 .LBB2_18-.Ltmp8, $4  }
0x19b: {  	v0 =	vld.idx.msk [tilespmem:v1+s3+$0x0], $0xffff  }
0x19c: {  	s1 =	sadd.s32 $0x80, s1;
	v1 =	vld.idx.msk [tilespmem:v2+s3+$0x0], $0xffff  }
0x19d: {  	v2 =	vld.idx.msk [tilespmem:v4+s3+$0x0], $0xffff;
	[tilespmem:s1+$0x30] =	vst v6  }
0x19e: {  	s5 =	sadd.s32 $0x80, s5;
	v4 =	vld.idx.msk [tilespmem:v7+s3+$0x0], $0xffff;
	[tilespmem:s1+$0xFFFFFFD0] =	vst v8  }
0x19f: {  	[tilespmem:s1+$0xFFFFFFE0] =	vst v5  }
0x1a0: {  	[tilespmem:s1+$0xFFFFFFF0] =	vst v3  }
0x1a1: {  	[tilespmem:s1+$0x0] =	vst v0  }
0x1a2: {  	[tilespmem:s1+$0x10] =	vst v1  }
0x1a3: {  	[tilespmem:s1+$0x20] =	vst v2  }
0x1a4: {  	[tilespmem:s1+$0xFFFFFFC0] =	vst v4  }
0x1a5: {  	[hbm4b:s14+s21] =	stream.strided.scatter [tilespmem:s28], [sflag:$0x4], $0x1000, s22, s21, $0x38;
	[tilespmem:$0x1EB00] =	vst v63  }
0x1a6: {  	_ =	swait.ge [sflag:s31], $0x1000  }
0x1a7: {  	[sflag:s31] =	ssyncset.done $0x0  }
0x1a8: {  	s5 =	simm.s32 $0x19B70;
	[sflag:s31] =	ssyncadd.s32 $0xFFFFF000  }
0x1a9: {  	v0 =	vld [tilespmem:s5+$0x0]  }
0x1aa: {  	v1 =	vld [tilespmem:s5+$0xFFFFFFA0]  }
0x1ab: {  	v2 =	vld [tilespmem:s5+$0xFFFFFFB0]  }
0x1ac: {  	v3 =	vld [tilespmem:s5+$0xFFFFFFC0]  }
0x1ad: {  	v4 =	vld [tilespmem:s5+$0xFFFFFFD0]  }
0x1ae: {  	v6 =	vld [tilespmem:s5+$0xFFFFFFE0]  }
0x1af: {  	v7 =	vld [tilespmem:s5+$0xFFFFFFF0]  }
0x1b0: {  	v8 =	vld [tilespmem:s5+$0xFFFFFF90]  }
0x1b1: {  	v9 =	vld.idx.msk [tilespmem:v0+s3+$0x0], $0xffff  }
0x1b2: {  	v10 =	vld.idx.msk [tilespmem:v1+s3+$0x0], $0xffff  }
0x1b3: {  	v5 =	vld.idx.msk [tilespmem:v2+s3+$0x0], $0xffff  }
0x1b4: {  	v3 =	vld.idx.msk [tilespmem:v3+s3+$0x0], $0xffff  }
0x1b5: {  	v0 =	vld.idx.msk [tilespmem:v4+s3+$0x0], $0xffff  }
0x1b6: {  	s1 =	simm.s32 $0x1DB40;
	v1 =	vld.idx.msk [tilespmem:v6+s3+$0x0], $0xffff  }
0x1b7: {  	v2 =	vld.idx.msk [tilespmem:v7+s3+$0x0], $0xffff;
	[tilespmem:s1+$0x30] =	vst v9  }
0x1b8: {  	s2 =	simm.s32 $0x0;
	s5 =	simm.s32 $0x19BF0;
	v4 =	vld.idx.msk [tilespmem:v8+s3+$0x0], $0xffff;
	[tilespmem:s1+$0xFFFFFFD0] =	vst v10  }
.LBB2_20:
0x1b9: {  	v6 =	vld [tilespmem:s5+$0x0];
	s2 =	sadd.s32 $0x8, s2;
	[tilespmem:s1+$0xFFFFFFE0] =	vst v5  }
0x1ba: {  	v5 =	vld [tilespmem:s5+$0xFFFFFFA0];
	p0 =	slt.u32 s2, $0xF8;
	[tilespmem:s1+$0xFFFFFFF0] =	vst v3  }
0x1bb: {  	v3 =	vld [tilespmem:s5+$0xFFFFFFB0];
	[tilespmem:s1+$0x0] =	vst v0  }
0x1bc: {  	v0 =	vld [tilespmem:s5+$0xFFFFFFC0];
	[tilespmem:s1+$0x10] =	vst v1  }
0x1bd: {  	v1 =	vld [tilespmem:s5+$0xFFFFFFD0];
	[tilespmem:s1+$0x20] =	vst v2  }
0x1be: {  	v2 =	vld [tilespmem:s5+$0xFFFFFFE0];
	[tilespmem:s1+$0xFFFFFFC0] =	vst v4  }
0x1bf: {  	v4 =	vld [tilespmem:s5+$0xFFFFFFF0]  }
0x1c0: {  	v7 =	vld [tilespmem:s5+$0xFFFFFF90]  }
0x1c1: {  	v6 =	vld.idx.msk [tilespmem:v6+s3+$0x0], $0xffff  }
0x1c2: {  	v8 =	vld.idx.msk [tilespmem:v5+s3+$0x0], $0xffff  }
0x1c3: {  	v5 =	vld.idx.msk [tilespmem:v3+s3+$0x0], $0xffff  }
.Ltmp9:
0x1c4: {  	v3 =	vld.idx.msk [tilespmem:v0+s3+$0x0], $0xffff;
	(pc) =	sbr.rel @p0 .LBB2_20-.Ltmp9, $4  }
0x1c5: {  	v0 =	vld.idx.msk [tilespmem:v1+s3+$0x0], $0xffff  }
0x1c6: {  	s1 =	sadd.s32 $0x80, s1;
	v1 =	vld.idx.msk [tilespmem:v2+s3+$0x0], $0xffff  }
0x1c7: {  	v2 =	vld.idx.msk [tilespmem:v4+s3+$0x0], $0xffff;
	[tilespmem:s1+$0x30] =	vst v6  }
0x1c8: {  	s5 =	sadd.s32 $0x80, s5;
	v4 =	vld.idx.msk [tilespmem:v7+s3+$0x0], $0xffff;
	[tilespmem:s1+$0xFFFFFFD0] =	vst v8  }
0x1c9: {  	[tilespmem:s1+$0xFFFFFFE0] =	vst v5  }
0x1ca: {  	[tilespmem:s1+$0xFFFFFFF0] =	vst v3  }
0x1cb: {  	[tilespmem:s1+$0x0] =	vst v0  }
0x1cc: {  	[tilespmem:s1+$0x10] =	vst v1  }
0x1cd: {  	[tilespmem:s1+$0x20] =	vst v2  }
0x1ce: {  	[tilespmem:s1+$0xFFFFFFC0] =	vst v4  }
0x1cf: {  	[hbm4b:s17+s21] =	stream.strided.scatter [tilespmem:s29], [sflag:$0x5], $0x1000, s22, s21, $0x38;
	[tilespmem:$0x1EB00] =	vst v63  }
0x1d0: {  	_ =	swait.ge [sflag:s30], $0x1000  }
0x1d1: {  	[sflag:s30] =	ssyncset.done $0x0  }
0x1d2: {  	s5 =	simm.s32 $0x1AB70;
	[sflag:s30] =	ssyncadd.s32 $0xFFFFF000  }
0x1d3: {  	v0 =	vld [tilespmem:s5+$0x0]  }
0x1d4: {  	v1 =	vld [tilespmem:s5+$0xFFFFFFA0]  }
0x1d5: {  	v2 =	vld [tilespmem:s5+$0xFFFFFFB0]  }
0x1d6: {  	v3 =	vld [tilespmem:s5+$0xFFFFFFC0]  }
0x1d7: {  	v4 =	vld [tilespmem:s5+$0xFFFFFFD0]  }
0x1d8: {  	v6 =	vld [tilespmem:s5+$0xFFFFFFE0]  }
0x1d9: {  	v7 =	vld [tilespmem:s5+$0xFFFFFFF0]  }
0x1da: {  	v8 =	vld [tilespmem:s5+$0xFFFFFF90]  }
0x1db: {  	v9 =	vld.idx.msk [tilespmem:v0+s3+$0x0], $0xffff  }
0x1dc: {  	v10 =	vld.idx.msk [tilespmem:v1+s3+$0x0], $0xffff  }
0x1dd: {  	v5 =	vld.idx.msk [tilespmem:v2+s3+$0x0], $0xffff  }
0x1de: {  	v3 =	vld.idx.msk [tilespmem:v3+s3+$0x0], $0xffff  }
0x1df: {  	v0 =	vld.idx.msk [tilespmem:v4+s3+$0x0], $0xffff  }
0x1e0: {  	s1 =	simm.s32 $0x1CB40;
	v1 =	vld.idx.msk [tilespmem:v6+s3+$0x0], $0xffff  }
0x1e1: {  	v2 =	vld.idx.msk [tilespmem:v7+s3+$0x0], $0xffff;
	[tilespmem:s1+$0x30] =	vst v9  }
0x1e2: {  	s2 =	simm.s32 $0x0;
	s5 =	simm.s32 $0x1ABF0;
	v4 =	vld.idx.msk [tilespmem:v8+s3+$0x0], $0xffff;
	[tilespmem:s1+$0xFFFFFFD0] =	vst v10  }
.LBB2_22:
0x1e3: {  	v6 =	vld [tilespmem:s5+$0x0];
	s2 =	sadd.s32 $0x8, s2;
	[tilespmem:s1+$0xFFFFFFE0] =	vst v5  }
0x1e4: {  	v5 =	vld [tilespmem:s5+$0xFFFFFFA0];
	p0 =	slt.u32 s2, $0xF8;
	[tilespmem:s1+$0xFFFFFFF0] =	vst v3  }
0x1e5: {  	v3 =	vld [tilespmem:s5+$0xFFFFFFB0];
	[tilespmem:s1+$0x0] =	vst v0  }
0x1e6: {  	v0 =	vld [tilespmem:s5+$0xFFFFFFC0];
	[tilespmem:s1+$0x10] =	vst v1  }
0x1e7: {  	v1 =	vld [tilespmem:s5+$0xFFFFFFD0];
	[tilespmem:s1+$0x20] =	vst v2  }
0x1e8: {  	v2 =	vld [tilespmem:s5+$0xFFFFFFE0];
	[tilespmem:s1+$0xFFFFFFC0] =	vst v4  }
0x1e9: {  	v4 =	vld [tilespmem:s5+$0xFFFFFFF0]  }
0x1ea: {  	v7 =	vld [tilespmem:s5+$0xFFFFFF90]  }
0x1eb: {  	v6 =	vld.idx.msk [tilespmem:v6+s3+$0x0], $0xffff  }
0x1ec: {  	v8 =	vld.idx.msk [tilespmem:v5+s3+$0x0], $0xffff  }
0x1ed: {  	v5 =	vld.idx.msk [tilespmem:v3+s3+$0x0], $0xffff  }
.Ltmp10:
0x1ee: {  	v3 =	vld.idx.msk [tilespmem:v0+s3+$0x0], $0xffff;
	(pc) =	sbr.rel @p0 .LBB2_22-.Ltmp10, $4  }
0x1ef: {  	v0 =	vld.idx.msk [tilespmem:v1+s3+$0x0], $0xffff  }
0x1f0: {  	s1 =	sadd.s32 $0x80, s1;
	v1 =	vld.idx.msk [tilespmem:v2+s3+$0x0], $0xffff  }
0x1f1: {  	v2 =	vld.idx.msk [tilespmem:v4+s3+$0x0], $0xffff;
	[tilespmem:s1+$0x30] =	vst v6  }
0x1f2: {  	s5 =	sadd.s32 $0x80, s5;
	v4 =	vld.idx.msk [tilespmem:v7+s3+$0x0], $0xffff;
	[tilespmem:s1+$0xFFFFFFD0] =	vst v8  }
0x1f3: {  	[tilespmem:s1+$0xFFFFFFE0] =	vst v5  }
0x1f4: {  	[tilespmem:s1+$0xFFFFFFF0] =	vst v3  }
0x1f5: {  	[tilespmem:s1+$0x0] =	vst v0  }
0x1f6: {  	[tilespmem:s1+$0x10] =	vst v1  }
0x1f7: {  	[tilespmem:s1+$0x20] =	vst v2  }
0x1f8: {  	[tilespmem:s1+$0xFFFFFFC0] =	vst v4  }
0x1f9: {  	[hbm4b:s18+s21] =	stream.strided.scatter [tilespmem:s28], [sflag:$0x4], $0x1000, s22, s21, $0x38;
	[tilespmem:$0x1EB00] =	vst v63  }
0x1fa: {  	_ =	swait.ge [sflag:s31], $0x1000  }
0x1fb: {  	[sflag:s31] =	ssyncset.done $0x0  }
0x1fc: {  	s5 =	simm.s32 $0x1BB70;
	[sflag:s31] =	ssyncadd.s32 $0xFFFFF000  }
0x1fd: {  	v0 =	vld [tilespmem:s5+$0x0]  }
0x1fe: {  	v1 =	vld [tilespmem:s5+$0xFFFFFFA0]  }
0x1ff: {  	v2 =	vld [tilespmem:s5+$0xFFFFFFB0]  }
0x200: {  	v3 =	vld [tilespmem:s5+$0xFFFFFFC0]  }
0x201: {  	v4 =	vld [tilespmem:s5+$0xFFFFFFD0]  }
0x202: {  	v6 =	vld [tilespmem:s5+$0xFFFFFFE0]  }
0x203: {  	v7 =	vld [tilespmem:s5+$0xFFFFFFF0]  }
0x204: {  	v8 =	vld [tilespmem:s5+$0xFFFFFF90]  }
0x205: {  	v9 =	vld.idx.msk [tilespmem:v0+s3+$0x0], $0xffff  }
0x206: {  	v10 =	vld.idx.msk [tilespmem:v1+s3+$0x0], $0xffff  }
0x207: {  	v5 =	vld.idx.msk [tilespmem:v2+s3+$0x0], $0xffff  }
0x208: {  	v3 =	vld.idx.msk [tilespmem:v3+s3+$0x0], $0xffff  }
0x209: {  	v0 =	vld.idx.msk [tilespmem:v4+s3+$0x0], $0xffff  }
0x20a: {  	s1 =	simm.s32 $0x1DB40;
	v1 =	vld.idx.msk [tilespmem:v6+s3+$0x0], $0xffff  }
0x20b: {  	v2 =	vld.idx.msk [tilespmem:v7+s3+$0x0], $0xffff;
	[tilespmem:s1+$0x30] =	vst v9  }
0x20c: {  	s2 =	simm.s32 $0x0;
	s5 =	simm.s32 $0x1BBF0;
	v4 =	vld.idx.msk [tilespmem:v8+s3+$0x0], $0xffff;
	[tilespmem:s1+$0xFFFFFFD0] =	vst v10  }
.LBB2_24:
0x20d: {  	v6 =	vld [tilespmem:s5+$0x0];
	s2 =	sadd.s32 $0x8, s2;
	[tilespmem:s1+$0xFFFFFFE0] =	vst v5  }
0x20e: {  	v5 =	vld [tilespmem:s5+$0xFFFFFFA0];
	p0 =	slt.u32 s2, $0xF8;
	[tilespmem:s1+$0xFFFFFFF0] =	vst v3  }
0x20f: {  	v3 =	vld [tilespmem:s5+$0xFFFFFFB0];
	[tilespmem:s1+$0x0] =	vst v0  }
0x210: {  	v0 =	vld [tilespmem:s5+$0xFFFFFFC0];
	[tilespmem:s1+$0x10] =	vst v1  }
0x211: {  	v1 =	vld [tilespmem:s5+$0xFFFFFFD0];
	[tilespmem:s1+$0x20] =	vst v2  }
0x212: {  	v2 =	vld [tilespmem:s5+$0xFFFFFFE0];
	[tilespmem:s1+$0xFFFFFFC0] =	vst v4  }
0x213: {  	v4 =	vld [tilespmem:s5+$0xFFFFFFF0]  }
0x214: {  	v7 =	vld [tilespmem:s5+$0xFFFFFF90]  }
0x215: {  	v6 =	vld.idx.msk [tilespmem:v6+s3+$0x0], $0xffff  }
0x216: {  	v8 =	vld.idx.msk [tilespmem:v5+s3+$0x0], $0xffff  }
0x217: {  	v5 =	vld.idx.msk [tilespmem:v3+s3+$0x0], $0xffff  }
.Ltmp11:
0x218: {  	v3 =	vld.idx.msk [tilespmem:v0+s3+$0x0], $0xffff;
	(pc) =	sbr.rel @p0 .LBB2_24-.Ltmp11, $4  }
0x219: {  	v0 =	vld.idx.msk [tilespmem:v1+s3+$0x0], $0xffff  }
0x21a: {  	s1 =	sadd.s32 $0x80, s1;
	v1 =	vld.idx.msk [tilespmem:v2+s3+$0x0], $0xffff  }
0x21b: {  	v2 =	vld.idx.msk [tilespmem:v4+s3+$0x0], $0xffff;
	[tilespmem:s1+$0x30] =	vst v6  }
0x21c: {  	s5 =	sadd.s32 $0x80, s5;
	v4 =	vld.idx.msk [tilespmem:v7+s3+$0x0], $0xffff;
	[tilespmem:s1+$0xFFFFFFD0] =	vst v8  }
0x21d: {  	[tilespmem:s1+$0xFFFFFFE0] =	vst v5  }
0x21e: {  	[tilespmem:s1+$0xFFFFFFF0] =	vst v3  }
0x21f: {  	[tilespmem:s1+$0x0] =	vst v0  }
0x220: {  	[tilespmem:s1+$0x10] =	vst v1  }
0x221: {  	[tilespmem:s1+$0x20] =	vst v2  }
0x222: {  	s4 =	sadd.s32 $0x1, s4;
	[tilespmem:s1+$0xFFFFFFC0] =	vst v4  }
0x223: {  	[hbm4b:s19+s21] =	stream.strided.scatter [tilespmem:s29], [sflag:$0x5], $0x1000, s22, s21, $0x38;
	[tilespmem:$0x1EB00] =	vst v63  }
0x224: {  	p0 =	sne.s32 s4, s20;
	_ =	swait.ge [sflag:s30], $0x1000  }
.Ltmp12:
0x225: {  	[sflag:s30] =	ssyncset.done $0x0;
	(pc) =	sbr.rel @p0 .LBB2_1-.Ltmp12, $4  }
0x226: {  	[sflag:s30] =	ssyncadd.s32 $0xFFFFF000  }
0x227: {  	_ =	swait.ge [sflag:s31], $0x1000  }
0x228: {  	[sflag:s31] =	ssyncset.done $0x0  }
0x229: {  	[sflag:s31] =	ssyncadd.s32 $0xFFFFF000  }
0x22a: {  	_ =	sfence.sel $0x180000  }
0x22b: {  	[bflag:$0x0] =	sbarrier.arrive $0xFFFF  }
0x22c: {  	_ =	strace $0x90000047  }
0x22d: {  	s0 =	stileid.u32;
	[bflag:$0x2] =	sbarrier.arrive $0xFFFF  }
0x22e: {  	p0 =	sne.s32 s0, $0x0;
	s0 =	rddreg [dreg:$0x6]  }
0x22f: {  	s0 =	sadd.s32 @!p0 $0x100000, s0  }
0x230: {  	[sflag:s0] =	ssyncadd.tile.s32 @!p0 $0x1;
	_ =	shalt  }
.Lfunc_end2:
_tile_overlayer_lowered:
.L_overlay_start_2:
0x231: {  	(tag) =	ssettag $0x2  }
0x232: {  	s0 =	rddreg [dreg:$0x0];
	s2 =	stileid.u32  }
0x233: {  	s1 =	rddreg [dreg:$0x1];
	p0 =	sne.s32 s2, $0x0  }
0x234: {  	s3 =	rddreg [dreg:$0x2];
	[bflag:$0x3] =	sbarrier.arrive $0xFFFF;
	s2 =	simm.s32 @!p0 $0x1C06  }
0x235: {  	[timem:s3], [sflag:s2] =	dma.local @!p0 [hbm:s0], s1  }
0x236: {  	s0 =	simm.s32 @!p0 $0x6  }
0x237: {  	_ =	swait.ge @!p0 [sflag:s0], s1  }
0x238: {  	s1 =	ssub.s32 @!p0 $0x0, s1;
	[sflag:s0] =	ssyncset.done @!p0 $0x0  }
0x239: {  	[sflag:s0] =	ssyncadd.s32 @!p0 s1  }
0x23a: {  	[bflag:$0x3] =	sbarrier.arrive $0xFFFF  }
0x23b: {  	_ =	shalt  }

</sc_bundles>
